<compile_context>
chip_gen: v7x
topology: tpu7x:2x2x1
jax: 0.10.2.dev20260603
libtpu: 0.0.44.dev20260713+nightly
codegen_flags: <defaults>
</compile_context>

<pallas_src>
import functools

import numpy as np
import jax
import jax.numpy as jnp
from jax import lax
from jax.experimental import pallas as pl
from jax.experimental.pallas import tpu as pltpu
from jax.experimental.pallas import tpu_sc as plsc

KH = KW = 8
C, H, W = 3, 64, 64
PAD = 10
D = KH * KW * C
K = 16384
Ho = Wo = 77
L = Ho * Wo
NT = 16
LP = 6144
RPT = LP // NT
CR, CC = 168, 128
PADH = H + 2 * PAD


def _post_sc(idx, mapping, mem2, basev, offv, gathv, rowidxv):
    mesh = plsc.VectorSubcoreMesh(core_axis_name="c", subcore_axis_name="s",
                                  num_cores=1)

    @functools.partial(
        pl.kernel,
        out_type=jax.ShapeDtypeStruct((H * W * C,), jnp.float32),
        mesh=mesh,
        scratch_types=[
            pltpu.VMEM((RPT,), jnp.int32),
            pltpu.VMEM((K,), jnp.int32),
            pltpu.VMEM((3, 128), jnp.int32),
            pltpu.VMEM((RPT, D), jnp.float32),
            pltpu.VMEM((CR, CC), jnp.float32),
            pltpu.VMEM((RPT + 16,), jnp.int32),
            pltpu.VMEM((D,), jnp.int32),
            pltpu.VMEM((D,), jnp.int32),
            pltpu.VMEM((2, 84), jnp.int32),
            pltpu.VMEM((D,), jnp.float32),
            pltpu.VMEM_SHARED((CR, CC), jnp.float32),
        ],
        compiler_params=pltpu.CompilerParams(needs_layout_passes=False,
                                             use_tc_tiling_on_sc=False),
    )
    def sc_body(idx_hbm, map_hbm, mem2_hbm, base_hbm, off_hbm, gath_hbm,
                rowidx_hbm, out_hbm, idx_v, map_v, rec_v, rows_v, canvas_v,
                base_v, off_v, gath_v, rowidx_v, outrow_v, shared):
        tid = lax.axis_index("s")
        base0 = tid * RPT
        pltpu.sync_copy(idx_hbm.at[pl.ds(base0, RPT)], idx_v)
        pltpu.sync_copy(map_hbm, map_v)
        pltpu.sync_copy(base_hbm.at[pl.ds(base0, RPT)], base_v.at[pl.ds(0, RPT)])
        pltpu.sync_copy(off_hbm, off_v)
        pltpu.sync_copy(gath_hbm, gath_v)
        pltpu.sync_copy(rowidx_hbm, rowidx_v)

        for j in range(RPT // 16):
            iv = idx_v[pl.ds(j * 16, 16)]
            rv = plsc.load_gather(map_v, [iv])
            rec_v[j // 8, pl.ds((j % 8) * 16, 16)] = rv

        for kk in range(3):
            pltpu.sync_copy(mem2_hbm.at[rec_v.at[kk]],
                            rows_v.at[pl.ds(kk * 128, 128)])

        zero16 = jnp.zeros((16,), jnp.float32)

        def zrow(r, _):
            for cchunk in range(CC // 16):
                canvas_v[r, pl.ds(cchunk * 16, 16)] = zero16
            return 0

        lax.fori_loop(0, CR, zrow, 0)

        @pl.when(tid == 0)
        def _pub():
            pltpu.sync_copy(canvas_v, shared)

        plsc.subcore_barrier()

        def fold(r, _):
            lpix = base0 + r
            rb = base_v[pl.ds(r, 16)][0]
            mvec = jnp.full((16,), lpix < L)
            for j in range(D // 16):
                vals = rows_v[r, pl.ds(j * 16, 16)]
                fv = off_v[pl.ds(j * 16, 16)] + rb
                plsc.addupdate_scatter(
                    canvas_v,
                    [lax.shift_right_logical(fv, 7),
                     jnp.bitwise_and(fv, 127)],
                    vals, mask=mvec)
            return 0

        lax.fori_loop(0, RPT, fold, 0)

        pltpu.sync_copy(canvas_v.at[pl.ds(0, 84)],
                        shared.at[rowidx_v.at[0]], add=True)
        pltpu.sync_copy(canvas_v.at[pl.ds(84, 84)],
                        shared.at[rowidx_v.at[1]], add=True)
        plsc.subcore_barrier()
        pltpu.sync_copy(shared, canvas_v)

        def mrow(rr, acc):
            cch = lax.shift_right_logical(rr, 6)
            hh = jnp.bitwise_and(rr, 63)
            fbase = cch * 7056 + (hh + 10) * 84 + 10
            for t in range(4):
                fv = fbase + t * 16 + lax.iota(jnp.int32, 16)
                v = plsc.load_gather(
                    canvas_v,
                    [lax.shift_right_logical(fv, 7),
                     jnp.bitwise_and(fv, 127)])
                acc = jnp.maximum(acc, v)
            return acc

        acc = lax.fori_loop(0, 192, mrow,
                            jnp.full((16,), -jnp.inf, jnp.float32))
        mx = jnp.max(acc)

        for kkk in range(4):
            hh = tid * 4 + kkk
            rb2 = (hh + 10) * 84 + 10
            for j in range(D // 16):
                fv = gath_v[pl.ds(j * 16, 16)] + rb2
                v = plsc.load_gather(
                    canvas_v,
                    [lax.shift_right_logical(fv, 7),
                     jnp.bitwise_and(fv, 127)])
                outrow_v[pl.ds(j * 16, 16)] = v / mx
            pltpu.sync_copy(outrow_v, out_hbm.at[pl.ds(hh * (W * C), W * C)])

    return sc_body(idx, mapping, mem2, basev, offv, gathv, rowidxv)


def kernel(image, mem, mem2, mapping):
    img = jnp.transpose(image, (2, 0, 1))
    xp = jnp.pad(img, ((0, 0), (PAD, PAD), (PAD, PAD)))
    rows = jnp.arange(Ho)[:, None] + jnp.arange(KH)[None, :]
    cols = jnp.arange(Wo)[:, None] + jnp.arange(KW)[None, :]
    p = xp[:, rows[:, :, None, None], cols[None, None, :, :]]
    q = p.transpose(0, 2, 4, 1, 3).reshape(D, L).T
    dmat = (jnp.sum(q * q, axis=1, keepdims=True)
            - 2.0 * (q @ mem.T)
            + jnp.sum(mem * mem, axis=1)[None, :])
    idx = jnp.argmin(dmat, axis=1).astype(jnp.int32)
    idx = jnp.pad(idx, (0, LP - L))

    ll = np.arange(LP)
    basev = jnp.asarray(np.where(ll < L, (ll // Wo) * PADH + ll % Wo, 0),
                        dtype=jnp.int32)
    dd = np.arange(D)
    offv = jnp.asarray((dd // (KH * KW)) * (PADH * PADH)
                       + ((dd // KW) % KH) * PADH + dd % KW, dtype=jnp.int32)
    tt = np.arange(D)
    gathv = jnp.asarray((tt % C) * (PADH * PADH) + tt // C, dtype=jnp.int32)
    rowidxv = jnp.asarray(np.arange(CR).reshape(2, 84), dtype=jnp.int32)

    flat = _post_sc(idx, mapping, mem2, basev, offv, gathv, rowidxv)
    return flat.reshape(H, W, C)

# --- scband reference (transcript-rebuilt; emitter-appended) ---
"""Pipeline reference for scband-neural-mem-89678917140833 (READ-ONLY COPY).

The authoritative reference and input builder live on the scoring server;
editing this copy changes nothing except your own understanding.
"""

import jax, jax.numpy as jnp
import numpy as np

KH, KW = 8, 8
C, H, W = 3, 64, 64
PAD = 10
STRIDE = 1
K = 16384
D = KH * KW * C


def _unfold(x):
    # x: [C, H, W] -> [C*KH*KW, L] matching torch.nn.functional.unfold
    xp = jnp.pad(x, ((0, 0), (PAD, PAD), (PAD, PAD)))
    Ho = (H + 2 * PAD - KH) // STRIDE + 1
    Wo = (W + 2 * PAD - KW) // STRIDE + 1
    rows = (jnp.arange(Ho) * STRIDE)[:, None] + jnp.arange(KH)[None, :]  # [Ho, KH]
    cols = (jnp.arange(Wo) * STRIDE)[:, None] + jnp.arange(KW)[None, :]  # [Wo, KW]
    p = xp[:, rows[:, :, None, None], cols[None, None, :, :]]  # [C, Ho, KH, Wo, KW]
    p = p.transpose(0, 2, 4, 1, 3).reshape(C * KH * KW, Ho * Wo)
    return p, Ho, Wo


def _fold(colmat, Ho, Wo):
    # colmat: [C*KH*KW, L] -> [C, H, W] matching torch.nn.functional.fold (overlap add)
    rows = (jnp.arange(Ho) * STRIDE)[:, None] + jnp.arange(KH)[None, :]
    cols = (jnp.arange(Wo) * STRIDE)[:, None] + jnp.arange(KW)[None, :]
    p = colmat.reshape(C, KH, KW, Ho, Wo).transpose(0, 3, 1, 4, 2)  # [C, Ho, KH, Wo, KW]
    out = jnp.zeros((C, H + 2 * PAD, W + 2 * PAD), colmat.dtype)
    out = out.at[:, rows[:, :, None, None], cols[None, None, :, :]].add(p)
    return out[:, PAD:PAD + H, PAD:PAD + W]


def setup_inputs(seed: int = 0) -> dict:
    key = jax.random.key(seed)
    k1, k2, k3, k4 = jax.random.split(key, 4)
    image = jax.random.normal(k1, (H, W, C), dtype=jnp.float32)
    mem = jax.random.normal(k2, (K, D), dtype=jnp.float32)
    mem2 = jax.random.normal(k3, (K, D), dtype=jnp.float32)
    mapping = jax.random.randint(k4, (K,), 0, K, dtype=jnp.int32)
    return {"image": image, "mem": mem, "mem2": mem2, "mapping": mapping}


def reference(image, mem, mem2, mapping):
    # image: [H, W, C] -> [C, H, W]
    img = jnp.transpose(image, (2, 0, 1))
    unf, Ho, Wo = _unfold(img)           # [D, L]
    q = unf.T                             # [L, D] query patches
    # brute-force L2 search (faiss IndexFlatL2 top-1)
    d = (jnp.sum(q * q, axis=1, keepdims=True)
         - 2.0 * (q @ mem.T)
         + jnp.sum(mem * mem, axis=1)[None, :])  # [L, K]
    idx = jnp.argmin(d, axis=1)           # top-1 neighbor id in mem
    # pattern_mappings lookup (Counter.most_common modeled as static int map)
    rec_idx = jnp.take(mapping, idx, axis=0)
    recon = jnp.take(mem2, rec_idx, axis=0)  # [L, D] reconstruct from mem2
    folded = _fold(recon.T, Ho, Wo)          # [C, H, W]
    out = folded / jnp.max(folded.reshape(-1))
    return jnp.transpose(out, (1, 2, 0))     # [H, W, C]

if __name__ == "__main__":
    import jax
    _d = setup_inputs()
    print(jax.jit(kernel)(*tuple(_d.values())))

</pallas_src>

<mosaic_0001>
#map = affine_map<(d0, d1) -> (0)>
#map1 = affine_map<(d0, d1) -> (0, 0)>
module attributes {stable_mosaic.version = 14 : i64} {
  func.func @sc_body(%arg0: i32, %arg1: i32, %arg2: memref<6144xi32, #tpu.memory_space<hbm>>, %arg3: memref<16384xi32, #tpu.memory_space<hbm>>, %arg4: memref<16384x192xf32, #tpu.memory_space<hbm>>, %arg5: memref<6144xi32, #tpu.memory_space<hbm>>, %arg6: memref<192xi32, #tpu.memory_space<hbm>>, %arg7: memref<192xi32, #tpu.memory_space<hbm>>, %arg8: memref<2x84xi32, #tpu.memory_space<hbm>>, %arg9: memref<12288xf32, #tpu.memory_space<hbm>>, %arg10: memref<384xi32, #tpu.memory_space<vmem>>, %arg11: memref<16384xi32, #tpu.memory_space<vmem>>, %arg12: memref<3x128xi32, #tpu.memory_space<vmem>>, %arg13: memref<384x192xf32, #tpu.memory_space<vmem>>, %arg14: memref<168x128xf32, #tpu.memory_space<vmem>>, %arg15: memref<400xi32, #tpu.memory_space<vmem>>, %arg16: memref<192xi32, #tpu.memory_space<vmem>>, %arg17: memref<192xi32, #tpu.memory_space<vmem>>, %arg18: memref<2x84xi32, #tpu.memory_space<vmem>>, %arg19: memref<192xf32, #tpu.memory_space<vmem>>, %arg20: memref<168x128xf32, #tpu.memory_space<vmem_shared>>) attributes {dimension_semantics = [#tpu.dimension_semantics<core_parallel>, #tpu.dimension_semantics<subcore_parallel>], iteration_bounds = array<i64: 1, 16>, scalar_prefetch = 0 : i64, scratch_operands = 11 : i64, tpu.core_type = #tpu.core_type<sc_vector_subcore>, window_params = [{transform_indices = #map}, {transform_indices = #map}, {transform_indices = #map1}, {transform_indices = #map}, {transform_indices = #map}, {transform_indices = #map}, {transform_indices = #map1}, {transform_indices = #map}]} {
    %mul3A = arith.constant 384 : i32
    %mul3A_0 = arith.muli %arg1, %mul3A : i32
    "tpu.region"() ({
      %run_scoped3A_962 = tpu.sem_alloc : memref<!tpu.dma_semaphore, #tpu.memory_space<semaphore_mem>>
      %dma_start3A = tpu.memref_slice %arg2[%mul3A_0] : memref<6144xi32, #tpu.memory_space<hbm>> -> memref<384xi32, #tpu.memory_space<hbm>>
      %dma_start3A_963 = tpu.memref_slice %arg2[%mul3A_0] : memref<6144xi32, #tpu.memory_space<hbm>> -> memref<384xi32, #tpu.memory_space<hbm>>
      tpu.enqueue_dma source(%dma_start3A_963 : memref<384xi32, #tpu.memory_space<hbm>>) target(%arg10 : memref<384xi32, #tpu.memory_space<vmem>>) target_semaphore(%run_scoped3A_962 : memref<!tpu.dma_semaphore, #tpu.memory_space<semaphore_mem>>)
      %dma_wait3A = tpu.memref_slice %arg2[%mul3A_0] : memref<6144xi32, #tpu.memory_space<hbm>> -> memref<384xi32, #tpu.memory_space<hbm>>
      %dma_wait3A_964 = tpu.memref_slice %arg2[%mul3A_0] : memref<6144xi32, #tpu.memory_space<hbm>> -> memref<384xi32, #tpu.memory_space<hbm>>
      tpu.wait_dma2 semaphore(%run_scoped3A_962 : memref<!tpu.dma_semaphore, #tpu.memory_space<semaphore_mem>>) src(%dma_wait3A_964 : memref<384xi32, #tpu.memory_space<hbm>>) dst(%arg10 : memref<384xi32, #tpu.memory_space<vmem>>)
      tpu.yield
    }) : () -> ()
    "tpu.region"() ({
      %run_scoped3A_962 = tpu.sem_alloc : memref<!tpu.dma_semaphore, #tpu.memory_space<semaphore_mem>>
      tpu.enqueue_dma source(%arg3 : memref<16384xi32, #tpu.memory_space<hbm>>) target(%arg11 : memref<16384xi32, #tpu.memory_space<vmem>>) target_semaphore(%run_scoped3A_962 : memref<!tpu.dma_semaphore, #tpu.memory_space<semaphore_mem>>)
      tpu.wait_dma2 semaphore(%run_scoped3A_962 : memref<!tpu.dma_semaphore, #tpu.memory_space<semaphore_mem>>) src(%arg3 : memref<16384xi32, #tpu.memory_space<hbm>>) dst(%arg11 : memref<16384xi32, #tpu.memory_space<vmem>>)
      tpu.yield
    }) : () -> ()
    "tpu.region"() ({
      %run_scoped3A_962 = tpu.sem_alloc : memref<!tpu.dma_semaphore, #tpu.memory_space<semaphore_mem>>
      %dma_start3A = arith.constant 0 : i32
      %dma_start3A_963 = tpu.memref_slice %arg15[%dma_start3A] : memref<400xi32, #tpu.memory_space<vmem>> -> memref<384xi32, #tpu.memory_space<vmem>>
      %dma_start3A_964 = tpu.memref_slice %arg5[%mul3A_0] : memref<6144xi32, #tpu.memory_space<hbm>> -> memref<384xi32, #tpu.memory_space<hbm>>
      %dma_start3A_965 = arith.constant 0 : i32
      %dma_start3A_966 = tpu.memref_slice %arg15[%dma_start3A_965] : memref<400xi32, #tpu.memory_space<vmem>> -> memref<384xi32, #tpu.memory_space<vmem>>
      %dma_start3A_967 = tpu.memref_slice %arg5[%mul3A_0] : memref<6144xi32, #tpu.memory_space<hbm>> -> memref<384xi32, #tpu.memory_space<hbm>>
      tpu.enqueue_dma source(%dma_start3A_967 : memref<384xi32, #tpu.memory_space<hbm>>) target(%dma_start3A_966 : memref<384xi32, #tpu.memory_space<vmem>>) target_semaphore(%run_scoped3A_962 : memref<!tpu.dma_semaphore, #tpu.memory_space<semaphore_mem>>)
      %dma_wait3A = arith.constant 0 : i32
      %dma_wait3A_968 = tpu.memref_slice %arg15[%dma_wait3A] : memref<400xi32, #tpu.memory_space<vmem>> -> memref<384xi32, #tpu.memory_space<vmem>>
      %dma_wait3A_969 = tpu.memref_slice %arg5[%mul3A_0] : memref<6144xi32, #tpu.memory_space<hbm>> -> memref<384xi32, #tpu.memory_space<hbm>>
      %dma_wait3A_970 = arith.constant 0 : i32
      %dma_wait3A_971 = tpu.memref_slice %arg15[%dma_wait3A_970] : memref<400xi32, #tpu.memory_space<vmem>> -> memref<384xi32, #tpu.memory_space<vmem>>
      %dma_wait3A_972 = tpu.memref_slice %arg5[%mul3A_0] : memref<6144xi32, #tpu.memory_space<hbm>> -> memref<384xi32, #tpu.memory_space<hbm>>
      tpu.wait_dma2 semaphore(%run_scoped3A_962 : memref<!tpu.dma_semaphore, #tpu.memory_space<semaphore_mem>>) src(%dma_wait3A_972 : memref<384xi32, #tpu.memory_space<hbm>>) dst(%dma_wait3A_971 : memref<384xi32, #tpu.memory_space<vmem>>)
      tpu.yield
    }) : () -> ()
    "tpu.region"() ({
      %run_scoped3A_962 = tpu.sem_alloc : memref<!tpu.dma_semaphore, #tpu.memory_space<semaphore_mem>>
      tpu.enqueue_dma source(%arg6 : memref<192xi32, #tpu.memory_space<hbm>>) target(%arg16 : memref<192xi32, #tpu.memory_space<vmem>>) target_semaphore(%run_scoped3A_962 : memref<!tpu.dma_semaphore, #tpu.memory_space<semaphore_mem>>)
      tpu.wait_dma2 semaphore(%run_scoped3A_962 : memref<!tpu.dma_semaphore, #tpu.memory_space<semaphore_mem>>) src(%arg6 : memref<192xi32, #tpu.memory_space<hbm>>) dst(%arg16 : memref<192xi32, #tpu.memory_space<vmem>>)
      tpu.yield
    }) : () -> ()
    "tpu.region"() ({
      %run_scoped3A_962 = tpu.sem_alloc : memref<!tpu.dma_semaphore, #tpu.memory_space<semaphore_mem>>
      tpu.enqueue_dma source(%arg7 : memref<192xi32, #tpu.memory_space<hbm>>) target(%arg17 : memref<192xi32, #tpu.memory_space<vmem>>) target_semaphore(%run_scoped3A_962 : memref<!tpu.dma_semaphore, #tpu.memory_space<semaphore_mem>>)
      tpu.wait_dma2 semaphore(%run_scoped3A_962 : memref<!tpu.dma_semaphore, #tpu.memory_space<semaphore_mem>>) src(%arg7 : memref<192xi32, #tpu.memory_space<hbm>>) dst(%arg17 : memref<192xi32, #tpu.memory_space<vmem>>)
      tpu.yield
    }) : () -> ()
    "tpu.region"() ({
      %run_scoped3A_962 = tpu.sem_alloc : memref<!tpu.dma_semaphore, #tpu.memory_space<semaphore_mem>>
      tpu.enqueue_dma source(%arg8 : memref<2x84xi32, #tpu.memory_space<hbm>>) target(%arg18 : memref<2x84xi32, #tpu.memory_space<vmem>>) target_semaphore(%run_scoped3A_962 : memref<!tpu.dma_semaphore, #tpu.memory_space<semaphore_mem>>)
      tpu.wait_dma2 semaphore(%run_scoped3A_962 : memref<!tpu.dma_semaphore, #tpu.memory_space<semaphore_mem>>) src(%arg8 : memref<2x84xi32, #tpu.memory_space<hbm>>) dst(%arg18 : memref<2x84xi32, #tpu.memory_space<vmem>>)
      tpu.yield
    }) : () -> ()
    %get3A = arith.constant 0 : index
    %get3A_1 = tpu.vector_load %arg10[%get3A] {strides = array<i32>} : memref<384xi32, #tpu.memory_space<vmem>>, vector<16xi32>,
    %gather3A = tpu.vector_load_idx %arg11[%get3A_1] : memref<16384xi32, #tpu.memory_space<vmem>>[vector<16xi32>], vector<16xi32>,
    %swap3A = arith.constant 0 : i32
    %swap3A_2 = arith.index_cast %swap3A : i32 to index
    %swap3A_3 = arith.constant 0 : index
    %swap3A_4 = tpu.vector_load %arg12[%swap3A_2, %swap3A_3] {strides = array<i32>} : memref<3x128xi32, #tpu.memory_space<vmem>>, vector<16xi32>,
    tpu.vector_store %arg12[%swap3A_2, %swap3A_3], %gather3A {strides = array<i32>} : memref<3x128xi32, #tpu.memory_space<vmem>>, vector<16xi32>,
    %get3A_5 = arith.constant 16 : index
    %get3A_6 = tpu.vector_load %arg10[%get3A_5] {strides = array<i32>} : memref<384xi32, #tpu.memory_space<vmem>>, vector<16xi32>,
    %gather3A_7 = tpu.vector_load_idx %arg11[%get3A_6] : memref<16384xi32, #tpu.memory_space<vmem>>[vector<16xi32>], vector<16xi32>,
    %swap3A_8 = arith.constant 0 : i32
    %swap3A_9 = arith.index_cast %swap3A_8 : i32 to index
    %swap3A_10 = arith.constant 16 : index
    %swap3A_11 = tpu.vector_load %arg12[%swap3A_9, %swap3A_10] {strides = array<i32>} : memref<3x128xi32, #tpu.memory_space<vmem>>, vector<16xi32>,
    tpu.vector_store %arg12[%swap3A_9, %swap3A_10], %gather3A_7 {strides = array<i32>} : memref<3x128xi32, #tpu.memory_space<vmem>>, vector<16xi32>,
    %get3A_12 = arith.constant 32 : index
    %get3A_13 = tpu.vector_load %arg10[%get3A_12] {strides = array<i32>} : memref<384xi32, #tpu.memory_space<vmem>>, vector<16xi32>,
    %gather3A_14 = tpu.vector_load_idx %arg11[%get3A_13] : memref<16384xi32, #tpu.memory_space<vmem>>[vector<16xi32>], vector<16xi32>,
    %swap3A_15 = arith.constant 0 : i32
    %swap3A_16 = arith.index_cast %swap3A_15 : i32 to index
    %swap3A_17 = arith.constant 32 : index
    %swap3A_18 = tpu.vector_load %arg12[%swap3A_16, %swap3A_17] {strides = array<i32>} : memref<3x128xi32, #tpu.memory_space<vmem>>, vector<16xi32>,
    tpu.vector_store %arg12[%swap3A_16, %swap3A_17], %gather3A_14 {strides = array<i32>} : memref<3x128xi32, #tpu.memory_space<vmem>>, vector<16xi32>,
    %get3A_19 = arith.constant 48 : index
    %get3A_20 = tpu.vector_load %arg10[%get3A_19] {strides = array<i32>} : memref<384xi32, #tpu.memory_space<vmem>>, vector<16xi32>,
    %gather3A_21 = tpu.vector_load_idx %arg11[%get3A_20] : memref<16384xi32, #tpu.memory_space<vmem>>[vector<16xi32>], vector<16xi32>,
    %swap3A_22 = arith.constant 0 : i32
    %swap3A_23 = arith.index_cast %swap3A_22 : i32 to index
    %swap3A_24 = arith.constant 48 : index
    %swap3A_25 = tpu.vector_load %arg12[%swap3A_23, %swap3A_24] {strides = array<i32>} : memref<3x128xi32, #tpu.memory_space<vmem>>, vector<16xi32>,
    tpu.vector_store %arg12[%swap3A_23, %swap3A_24], %gather3A_21 {strides = array<i32>} : memref<3x128xi32, #tpu.memory_space<vmem>>, vector<16xi32>,
    %get3A_26 = arith.constant 64 : index
    %get3A_27 = tpu.vector_load %arg10[%get3A_26] {strides = array<i32>} : memref<384xi32, #tpu.memory_space<vmem>>, vector<16xi32>,
    %gather3A_28 = tpu.vector_load_idx %arg11[%get3A_27] : memref<16384xi32, #tpu.memory_space<vmem>>[vector<16xi32>], vector<16xi32>,
    %swap3A_29 = arith.constant 0 : i32
    %swap3A_30 = arith.index_cast %swap3A_29 : i32 to index
    %swap3A_31 = arith.constant 64 : index
    %swap3A_32 = tpu.vector_load %arg12[%swap3A_30, %swap3A_31] {strides = array<i32>} : memref<3x128xi32, #tpu.memory_space<vmem>>, vector<16xi32>,
    tpu.vector_store %arg12[%swap3A_30, %swap3A_31], %gather3A_28 {strides = array<i32>} : memref<3x128xi32, #tpu.memory_space<vmem>>, vector<16xi32>,
    %get3A_33 = arith.constant 80 : index
    %get3A_34 = tpu.vector_load %arg10[%get3A_33] {strides = array<i32>} : memref<384xi32, #tpu.memory_space<vmem>>, vector<16xi32>,
    %gather3A_35 = tpu.vector_load_idx %arg11[%get3A_34] : memref<16384xi32, #tpu.memory_space<vmem>>[vector<16xi32>], vector<16xi32>,
    %swap3A_36 = arith.constant 0 : i32
    %swap3A_37 = arith.index_cast %swap3A_36 : i32 to index
    %swap3A_38 = arith.constant 80 : index
    %swap3A_39 = tpu.vector_load %arg12[%swap3A_37, %swap3A_38] {strides = array<i32>} : memref<3x128xi32, #tpu.memory_space<vmem>>, vector<16xi32>,
    tpu.vector_store %arg12[%swap3A_37, %swap3A_38], %gather3A_35 {strides = array<i32>} : memref<3x128xi32, #tpu.memory_space<vmem>>, vector<16xi32>,
    %get3A_40 = arith.constant 96 : index
    %get3A_41 = tpu.vector_load %arg10[%get3A_40] {strides = array<i32>} : memref<384xi32, #tpu.memory_space<vmem>>, vector<16xi32>,
    %gather3A_42 = tpu.vector_load_idx %arg11[%get3A_41] : memref<16384xi32, #tpu.memory_space<vmem>>[vector<16xi32>], vector<16xi32>,
    %swap3A_43 = arith.constant 0 : i32
    %swap3A_44 = arith.index_cast %swap3A_43 : i32 to index
    %swap3A_45 = arith.constant 96 : index
    %swap3A_46 = tpu.vector_load %arg12[%swap3A_44, %swap3A_45] {strides = array<i32>} : memref<3x128xi32, #tpu.memory_space<vmem>>, vector<16xi32>,
    tpu.vector_store %arg12[%swap3A_44, %swap3A_45], %gather3A_42 {strides = array<i32>} : memref<3x128xi32, #tpu.memory_space<vmem>>, vector<16xi32>,
    %get3A_47 = arith.constant 112 : index
    %get3A_48 = tpu.vector_load %arg10[%get3A_47] {strides = array<i32>} : memref<384xi32, #tpu.memory_space<vmem>>, vector<16xi32>,
    %gather3A_49 = tpu.vector_load_idx %arg11[%get3A_48] : memref<16384xi32, #tpu.memory_space<vmem>>[vector<16xi32>], vector<16xi32>,
    %swap3A_50 = arith.constant 0 : i32
    %swap3A_51 = arith.index_cast %swap3A_50 : i32 to index
    %swap3A_52 = arith.constant 112 : index
    %swap3A_53 = tpu.vector_load %arg12[%swap3A_51, %swap3A_52] {strides = array<i32>} : memref<3x128xi32, #tpu.memory_space<vmem>>, vector<16xi32>,
    tpu.vector_store %arg12[%swap3A_51, %swap3A_52], %gather3A_49 {strides = array<i32>} : memref<3x128xi32, #tpu.memory_space<vmem>>, vector<16xi32>,
    %get3A_54 = arith.constant 128 : index
    %get3A_55 = tpu.vector_load %arg10[%get3A_54] {strides = array<i32>} : memref<384xi32, #tpu.memory_space<vmem>>, vector<16xi32>,
    %gather3A_56 = tpu.vector_load_idx %arg11[%get3A_55] : memref<16384xi32, #tpu.memory_space<vmem>>[vector<16xi32>], vector<16xi32>,
    %swap3A_57 = arith.constant 1 : i32
    %swap3A_58 = arith.index_cast %swap3A_57 : i32 to index
    %swap3A_59 = arith.constant 0 : index
    %swap3A_60 = tpu.vector_load %arg12[%swap3A_58, %swap3A_59] {strides = array<i32>} : memref<3x128xi32, #tpu.memory_space<vmem>>, vector<16xi32>,
    tpu.vector_store %arg12[%swap3A_58, %swap3A_59], %gather3A_56 {strides = array<i32>} : memref<3x128xi32, #tpu.memory_space<vmem>>, vector<16xi32>,
    %get3A_61 = arith.constant 144 : index
    %get3A_62 = tpu.vector_load %arg10[%get3A_61] {strides = array<i32>} : memref<384xi32, #tpu.memory_space<vmem>>, vector<16xi32>,
    %gather3A_63 = tpu.vector_load_idx %arg11[%get3A_62] : memref<16384xi32, #tpu.memory_space<vmem>>[vector<16xi32>], vector<16xi32>,
    %swap3A_64 = arith.constant 1 : i32
    %swap3A_65 = arith.index_cast %swap3A_64 : i32 to index
    %swap3A_66 = arith.constant 16 : index
    %swap3A_67 = tpu.vector_load %arg12[%swap3A_65, %swap3A_66] {strides = array<i32>} : memref<3x128xi32, #tpu.memory_space<vmem>>, vector<16xi32>,
    tpu.vector_store %arg12[%swap3A_65, %swap3A_66], %gather3A_63 {strides = array<i32>} : memref<3x128xi32, #tpu.memory_space<vmem>>, vector<16xi32>,
    %get3A_68 = arith.constant 160 : index
    %get3A_69 = tpu.vector_load %arg10[%get3A_68] {strides = array<i32>} : memref<384xi32, #tpu.memory_space<vmem>>, vector<16xi32>,
    %gather3A_70 = tpu.vector_load_idx %arg11[%get3A_69] : memref<16384xi32, #tpu.memory_space<vmem>>[vector<16xi32>], vector<16xi32>,
    %swap3A_71 = arith.constant 1 : i32
    %swap3A_72 = arith.index_cast %swap3A_71 : i32 to index
    %swap3A_73 = arith.constant 32 : index
    %swap3A_74 = tpu.vector_load %arg12[%swap3A_72, %swap3A_73] {strides = array<i32>} : memref<3x128xi32, #tpu.memory_space<vmem>>, vector<16xi32>,
    tpu.vector_store %arg12[%swap3A_72, %swap3A_73], %gather3A_70 {strides = array<i32>} : memref<3x128xi32, #tpu.memory_space<vmem>>, vector<16xi32>,
    %get3A_75 = arith.constant 176 : index
    %get3A_76 = tpu.vector_load %arg10[%get3A_75] {strides = array<i32>} : memref<384xi32, #tpu.memory_space<vmem>>, vector<16xi32>,
    %gather3A_77 = tpu.vector_load_idx %arg11[%get3A_76] : memref<16384xi32, #tpu.memory_space<vmem>>[vector<16xi32>], vector<16xi32>,
    %swap3A_78 = arith.constant 1 : i32
    %swap3A_79 = arith.index_cast %swap3A_78 : i32 to index
    %swap3A_80 = arith.constant 48 : index
    %swap3A_81 = tpu.vector_load %arg12[%swap3A_79, %swap3A_80] {strides = array<i32>} : memref<3x128xi32, #tpu.memory_space<vmem>>, vector<16xi32>,
    tpu.vector_store %arg12[%swap3A_79, %swap3A_80], %gather3A_77 {strides = array<i32>} : memref<3x128xi32, #tpu.memory_space<vmem>>, vector<16xi32>,
    %get3A_82 = arith.constant 192 : index
    %get3A_83 = tpu.vector_load %arg10[%get3A_82] {strides = array<i32>} : memref<384xi32, #tpu.memory_space<vmem>>, vector<16xi32>,
    %gather3A_84 = tpu.vector_load_idx %arg11[%get3A_83] : memref<16384xi32, #tpu.memory_space<vmem>>[vector<16xi32>], vector<16xi32>,
    %swap3A_85 = arith.constant 1 : i32
    %swap3A_86 = arith.index_cast %swap3A_85 : i32 to index
    %swap3A_87 = arith.constant 64 : index
    %swap3A_88 = tpu.vector_load %arg12[%swap3A_86, %swap3A_87] {strides = array<i32>} : memref<3x128xi32, #tpu.memory_space<vmem>>, vector<16xi32>,
    tpu.vector_store %arg12[%swap3A_86, %swap3A_87], %gather3A_84 {strides = array<i32>} : memref<3x128xi32, #tpu.memory_space<vmem>>, vector<16xi32>,
    %get3A_89 = arith.constant 208 : index
    %get3A_90 = tpu.vector_load %arg10[%get3A_89] {strides = array<i32>} : memref<384xi32, #tpu.memory_space<vmem>>, vector<16xi32>,
    %gather3A_91 = tpu.vector_load_idx %arg11[%get3A_90] : memref<16384xi32, #tpu.memory_space<vmem>>[vector<16xi32>], vector<16xi32>,
    %swap3A_92 = arith.constant 1 : i32
    %swap3A_93 = arith.index_cast %swap3A_92 : i32 to index
    %swap3A_94 = arith.constant 80 : index
    %swap3A_95 = tpu.vector_load %arg12[%swap3A_93, %swap3A_94] {strides = array<i32>} : memref<3x128xi32, #tpu.memory_space<vmem>>, vector<16xi32>,
    tpu.vector_store %arg12[%swap3A_93, %swap3A_94], %gather3A_91 {strides = array<i32>} : memref<3x128xi32, #tpu.memory_space<vmem>>, vector<16xi32>,
    %get3A_96 = arith.constant 224 : index
    %get3A_97 = tpu.vector_load %arg10[%get3A_96] {strides = array<i32>} : memref<384xi32, #tpu.memory_space<vmem>>, vector<16xi32>,
    %gather3A_98 = tpu.vector_load_idx %arg11[%get3A_97] : memref<16384xi32, #tpu.memory_space<vmem>>[vector<16xi32>], vector<16xi32>,
    %swap3A_99 = arith.constant 1 : i32
    %swap3A_100 = arith.index_cast %swap3A_99 : i32 to index
    %swap3A_101 = arith.constant 96 : index
    %swap3A_102 = tpu.vector_load %arg12[%swap3A_100, %swap3A_101] {strides = array<i32>} : memref<3x128xi32, #tpu.memory_space<vmem>>, vector<16xi32>,
    tpu.vector_store %arg12[%swap3A_100, %swap3A_101], %gather3A_98 {strides = array<i32>} : memref<3x128xi32, #tpu.memory_space<vmem>>, vector<16xi32>,
    %get3A_103 = arith.constant 240 : index
    %get3A_104 = tpu.vector_load %arg10[%get3A_103] {strides = array<i32>} : memref<384xi32, #tpu.memory_space<vmem>>, vector<16xi32>,
    %gather3A_105 = tpu.vector_load_idx %arg11[%get3A_104] : memref<16384xi32, #tpu.memory_space<vmem>>[vector<16xi32>], vector<16xi32>,
    %swap3A_106 = arith.constant 1 : i32
    %swap3A_107 = arith.index_cast %swap3A_106 : i32 to index
    %swap3A_108 = arith.constant 112 : index
    %swap3A_109 = tpu.vector_load %arg12[%swap3A_107, %swap3A_108] {strides = array<i32>} : memref<3x128xi32, #tpu.memory_space<vmem>>, vector<16xi32>,
    tpu.vector_store %arg12[%swap3A_107, %swap3A_108], %gather3A_105 {strides = array<i32>} : memref<3x128xi32, #tpu.memory_space<vmem>>, vector<16xi32>,
    %get3A_110 = arith.constant 256 : index
    %get3A_111 = tpu.vector_load %arg10[%get3A_110] {strides = array<i32>} : memref<384xi32, #tpu.memory_space<vmem>>, vector<16xi32>,
    %gather3A_112 = tpu.vector_load_idx %arg11[%get3A_111] : memref<16384xi32, #tpu.memory_space<vmem>>[vector<16xi32>], vector<16xi32>,
    %swap3A_113 = arith.constant 2 : i32
    %swap3A_114 = arith.index_cast %swap3A_113 : i32 to index
    %swap3A_115 = arith.constant 0 : index
    %swap3A_116 = tpu.vector_load %arg12[%swap3A_114, %swap3A_115] {strides = array<i32>} : memref<3x128xi32, #tpu.memory_space<vmem>>, vector<16xi32>,
    tpu.vector_store %arg12[%swap3A_114, %swap3A_115], %gather3A_112 {strides = array<i32>} : memref<3x128xi32, #tpu.memory_space<vmem>>, vector<16xi32>,
    %get3A_117 = arith.constant 272 : index
    %get3A_118 = tpu.vector_load %arg10[%get3A_117] {strides = array<i32>} : memref<384xi32, #tpu.memory_space<vmem>>, vector<16xi32>,
    %gather3A_119 = tpu.vector_load_idx %arg11[%get3A_118] : memref<16384xi32, #tpu.memory_space<vmem>>[vector<16xi32>], vector<16xi32>,
    %swap3A_120 = arith.constant 2 : i32
    %swap3A_121 = arith.index_cast %swap3A_120 : i32 to index
    %swap3A_122 = arith.constant 16 : index
    %swap3A_123 = tpu.vector_load %arg12[%swap3A_121, %swap3A_122] {strides = array<i32>} : memref<3x128xi32, #tpu.memory_space<vmem>>, vector<16xi32>,
    tpu.vector_store %arg12[%swap3A_121, %swap3A_122], %gather3A_119 {strides = array<i32>} : memref<3x128xi32, #tpu.memory_space<vmem>>, vector<16xi32>,
    %get3A_124 = arith.constant 288 : index
    %get3A_125 = tpu.vector_load %arg10[%get3A_124] {strides = array<i32>} : memref<384xi32, #tpu.memory_space<vmem>>, vector<16xi32>,
    %gather3A_126 = tpu.vector_load_idx %arg11[%get3A_125] : memref<16384xi32, #tpu.memory_space<vmem>>[vector<16xi32>], vector<16xi32>,
    %swap3A_127 = arith.constant 2 : i32
    %swap3A_128 = arith.index_cast %swap3A_127 : i32 to index
    %swap3A_129 = arith.constant 32 : index
    %swap3A_130 = tpu.vector_load %arg12[%swap3A_128, %swap3A_129] {strides = array<i32>} : memref<3x128xi32, #tpu.memory_space<vmem>>, vector<16xi32>,
    tpu.vector_store %arg12[%swap3A_128, %swap3A_129], %gather3A_126 {strides = array<i32>} : memref<3x128xi32, #tpu.memory_space<vmem>>, vector<16xi32>,
    %get3A_131 = arith.constant 304 : index
    %get3A_132 = tpu.vector_load %arg10[%get3A_131] {strides = array<i32>} : memref<384xi32, #tpu.memory_space<vmem>>, vector<16xi32>,
    %gather3A_133 = tpu.vector_load_idx %arg11[%get3A_132] : memref<16384xi32, #tpu.memory_space<vmem>>[vector<16xi32>], vector<16xi32>,
    %swap3A_134 = arith.constant 2 : i32
    %swap3A_135 = arith.index_cast %swap3A_134 : i32 to index
    %swap3A_136 = arith.constant 48 : index
    %swap3A_137 = tpu.vector_load %arg12[%swap3A_135, %swap3A_136] {strides = array<i32>} : memref<3x128xi32, #tpu.memory_space<vmem>>, vector<16xi32>,
    tpu.vector_store %arg12[%swap3A_135, %swap3A_136], %gather3A_133 {strides = array<i32>} : memref<3x128xi32, #tpu.memory_space<vmem>>, vector<16xi32>,
    %get3A_138 = arith.constant 320 : index
    %get3A_139 = tpu.vector_load %arg10[%get3A_138] {strides = array<i32>} : memref<384xi32, #tpu.memory_space<vmem>>, vector<16xi32>,
    %gather3A_140 = tpu.vector_load_idx %arg11[%get3A_139] : memref<16384xi32, #tpu.memory_space<vmem>>[vector<16xi32>], vector<16xi32>,
    %swap3A_141 = arith.constant 2 : i32
    %swap3A_142 = arith.index_cast %swap3A_141 : i32 to index
    %swap3A_143 = arith.constant 64 : index
    %swap3A_144 = tpu.vector_load %arg12[%swap3A_142, %swap3A_143] {strides = array<i32>} : memref<3x128xi32, #tpu.memory_space<vmem>>, vector<16xi32>,
    tpu.vector_store %arg12[%swap3A_142, %swap3A_143], %gather3A_140 {strides = array<i32>} : memref<3x128xi32, #tpu.memory_space<vmem>>, vector<16xi32>,
    %get3A_145 = arith.constant 336 : index
    %get3A_146 = tpu.vector_load %arg10[%get3A_145] {strides = array<i32>} : memref<384xi32, #tpu.memory_space<vmem>>, vector<16xi32>,
    %gather3A_147 = tpu.vector_load_idx %arg11[%get3A_146] : memref<16384xi32, #tpu.memory_space<vmem>>[vector<16xi32>], vector<16xi32>,
    %swap3A_148 = arith.constant 2 : i32
    %swap3A_149 = arith.index_cast %swap3A_148 : i32 to index
    %swap3A_150 = arith.constant 80 : index
    %swap3A_151 = tpu.vector_load %arg12[%swap3A_149, %swap3A_150] {strides = array<i32>} : memref<3x128xi32, #tpu.memory_space<vmem>>, vector<16xi32>,
    tpu.vector_store %arg12[%swap3A_149, %swap3A_150], %gather3A_147 {strides = array<i32>} : memref<3x128xi32, #tpu.memory_space<vmem>>, vector<16xi32>,
    %get3A_152 = arith.constant 352 : index
    %get3A_153 = tpu.vector_load %arg10[%get3A_152] {strides = array<i32>} : memref<384xi32, #tpu.memory_space<vmem>>, vector<16xi32>,
    %gather3A_154 = tpu.vector_load_idx %arg11[%get3A_153] : memref<16384xi32, #tpu.memory_space<vmem>>[vector<16xi32>], vector<16xi32>,
    %swap3A_155 = arith.constant 2 : i32
    %swap3A_156 = arith.index_cast %swap3A_155 : i32 to index
    %swap3A_157 = arith.constant 96 : index
    %swap3A_158 = tpu.vector_load %arg12[%swap3A_156, %swap3A_157] {strides = array<i32>} : memref<3x128xi32, #tpu.memory_space<vmem>>, vector<16xi32>,
    tpu.vector_store %arg12[%swap3A_156, %swap3A_157], %gather3A_154 {strides = array<i32>} : memref<3x128xi32, #tpu.memory_space<vmem>>, vector<16xi32>,
    %get3A_159 = arith.constant 368 : index
    %get3A_160 = tpu.vector_load %arg10[%get3A_159] {strides = array<i32>} : memref<384xi32, #tpu.memory_space<vmem>>, vector<16xi32>,
    %gather3A_161 = tpu.vector_load_idx %arg11[%get3A_160] : memref<16384xi32, #tpu.memory_space<vmem>>[vector<16xi32>], vector<16xi32>,
    %swap3A_162 = arith.constant 2 : i32
    %swap3A_163 = arith.index_cast %swap3A_162 : i32 to index
    %swap3A_164 = arith.constant 112 : index
    %swap3A_165 = tpu.vector_load %arg12[%swap3A_163, %swap3A_164] {strides = array<i32>} : memref<3x128xi32, #tpu.memory_space<vmem>>, vector<16xi32>,
    tpu.vector_store %arg12[%swap3A_163, %swap3A_164], %gather3A_161 {strides = array<i32>} : memref<3x128xi32, #tpu.memory_space<vmem>>, vector<16xi32>,
    %run_scoped3A = arith.constant 0 : i32
    "tpu.region"() ({
      %run_scoped3A_962 = tpu.sem_alloc : memref<!tpu.dma_semaphore, #tpu.memory_space<semaphore_mem>>
      %dma_start3A = arith.constant 0 : i32
      %dma_start3A_963 = arith.constant 0 : i32
      %dma_start3A_964 = tpu.memref_slice %arg13[%dma_start3A, %dma_start3A_963] : memref<384x192xf32, #tpu.memory_space<vmem>> -> memref<128x192xf32, #tpu.memory_space<vmem>>
      %dma_start3A_965 = arith.constant 0 : i32
      %dma_start3A_966 = tpu.memref_slice %arg12[%run_scoped3A, %dma_start3A_965] : memref<3x128xi32, #tpu.memory_space<vmem>> -> memref<1x128xi32, #tpu.memory_space<vmem>>
      %dma_start3A_967 = tpu.memref_squeeze %dma_start3A_966 : memref<1x128xi32, #tpu.memory_space<vmem>> -> memref<128xi32, #tpu.memory_space<vmem>>
      %dma_start3A_968 = arith.constant 0 : i32
      %dma_start3A_969 = arith.constant 0 : i32
      %dma_start3A_970 = tpu.memref_slice %arg4[%dma_start3A_968, %dma_start3A_969] : memref<16384x192xf32, #tpu.memory_space<hbm>> -> memref<16384x192xf32, #tpu.memory_space<hbm>>
      tpu.enqueue_indirect_dma source(%dma_start3A_970 : memref<16384x192xf32, #tpu.memory_space<hbm>>) target(%dma_start3A_964 : memref<128x192xf32, #tpu.memory_space<vmem>>) offsets(%dma_start3A_967 : memref<128xi32, #tpu.memory_space<vmem>>) semaphore(%run_scoped3A_962 : memref<!tpu.dma_semaphore, #tpu.memory_space<semaphore_mem>>)
      %dma_wait3A = arith.constant 0 : i32
      %dma_wait3A_971 = arith.constant 0 : i32
      %dma_wait3A_972 = tpu.memref_slice %arg13[%dma_wait3A, %dma_wait3A_971] : memref<384x192xf32, #tpu.memory_space<vmem>> -> memref<128x192xf32, #tpu.memory_space<vmem>>
      %dma_wait3A_973 = arith.constant 0 : i32
      %dma_wait3A_974 = tpu.memref_slice %arg12[%run_scoped3A, %dma_wait3A_973] : memref<3x128xi32, #tpu.memory_space<vmem>> -> memref<1x128xi32, #tpu.memory_space<vmem>>
      %dma_wait3A_975 = tpu.memref_squeeze %dma_wait3A_974 : memref<1x128xi32, #tpu.memory_space<vmem>> -> memref<128xi32, #tpu.memory_space<vmem>>
      %dma_wait3A_976 = arith.constant 0 : i32
      %dma_wait3A_977 = arith.constant 0 : i32
      %dma_wait3A_978 = tpu.memref_slice %arg4[%dma_wait3A_976, %dma_wait3A_977] : memref<16384x192xf32, #tpu.memory_space<hbm>> -> memref<16384x192xf32, #tpu.memory_space<hbm>>
      tpu.wait_indirect_dma semaphore(%run_scoped3A_962 : memref<!tpu.dma_semaphore, #tpu.memory_space<semaphore_mem>>) src(%dma_wait3A_978 : memref<16384x192xf32, #tpu.memory_space<hbm>>) dst(%dma_wait3A_972 : memref<128x192xf32, #tpu.memory_space<vmem>>)
      tpu.yield
    }) : () -> ()
    %run_scoped3A_166 = arith.constant 1 : i32
    "tpu.region"() ({
      %run_scoped3A_962 = tpu.sem_alloc : memref<!tpu.dma_semaphore, #tpu.memory_space<semaphore_mem>>
      %dma_start3A = arith.constant 128 : i32
      %dma_start3A_963 = arith.constant 0 : i32
      %dma_start3A_964 = tpu.memref_slice %arg13[%dma_start3A, %dma_start3A_963] : memref<384x192xf32, #tpu.memory_space<vmem>> -> memref<128x192xf32, #tpu.memory_space<vmem>>
      %dma_start3A_965 = arith.constant 0 : i32
      %dma_start3A_966 = tpu.memref_slice %arg12[%run_scoped3A_166, %dma_start3A_965] : memref<3x128xi32, #tpu.memory_space<vmem>> -> memref<1x128xi32, #tpu.memory_space<vmem>>
      %dma_start3A_967 = tpu.memref_squeeze %dma_start3A_966 : memref<1x128xi32, #tpu.memory_space<vmem>> -> memref<128xi32, #tpu.memory_space<vmem>>
      %dma_start3A_968 = arith.constant 0 : i32
      %dma_start3A_969 = arith.constant 0 : i32
      %dma_start3A_970 = tpu.memref_slice %arg4[%dma_start3A_968, %dma_start3A_969] : memref<16384x192xf32, #tpu.memory_space<hbm>> -> memref<16384x192xf32, #tpu.memory_space<hbm>>
      tpu.enqueue_indirect_dma source(%dma_start3A_970 : memref<16384x192xf32, #tpu.memory_space<hbm>>) target(%dma_start3A_964 : memref<128x192xf32, #tpu.memory_space<vmem>>) offsets(%dma_start3A_967 : memref<128xi32, #tpu.memory_space<vmem>>) semaphore(%run_scoped3A_962 : memref<!tpu.dma_semaphore, #tpu.memory_space<semaphore_mem>>)
      %dma_wait3A = arith.constant 128 : i32
      %dma_wait3A_971 = arith.constant 0 : i32
      %dma_wait3A_972 = tpu.memref_slice %arg13[%dma_wait3A, %dma_wait3A_971] : memref<384x192xf32, #tpu.memory_space<vmem>> -> memref<128x192xf32, #tpu.memory_space<vmem>>
      %dma_wait3A_973 = arith.constant 0 : i32
      %dma_wait3A_974 = tpu.memref_slice %arg12[%run_scoped3A_166, %dma_wait3A_973] : memref<3x128xi32, #tpu.memory_space<vmem>> -> memref<1x128xi32, #tpu.memory_space<vmem>>
      %dma_wait3A_975 = tpu.memref_squeeze %dma_wait3A_974 : memref<1x128xi32, #tpu.memory_space<vmem>> -> memref<128xi32, #tpu.memory_space<vmem>>
      %dma_wait3A_976 = arith.constant 0 : i32
      %dma_wait3A_977 = arith.constant 0 : i32
      %dma_wait3A_978 = tpu.memref_slice %arg4[%dma_wait3A_976, %dma_wait3A_977] : memref<16384x192xf32, #tpu.memory_space<hbm>> -> memref<16384x192xf32, #tpu.memory_space<hbm>>
      tpu.wait_indirect_dma semaphore(%run_scoped3A_962 : memref<!tpu.dma_semaphore, #tpu.memory_space<semaphore_mem>>) src(%dma_wait3A_978 : memref<16384x192xf32, #tpu.memory_space<hbm>>) dst(%dma_wait3A_972 : memref<128x192xf32, #tpu.memory_space<vmem>>)
      tpu.yield
    }) : () -> ()
    %run_scoped3A_167 = arith.constant 2 : i32
    "tpu.region"() ({
      %run_scoped3A_962 = tpu.sem_alloc : memref<!tpu.dma_semaphore, #tpu.memory_space<semaphore_mem>>
      %dma_start3A = arith.constant 256 : i32
      %dma_start3A_963 = arith.constant 0 : i32
      %dma_start3A_964 = tpu.memref_slice %arg13[%dma_start3A, %dma_start3A_963] : memref<384x192xf32, #tpu.memory_space<vmem>> -> memref<128x192xf32, #tpu.memory_space<vmem>>
      %dma_start3A_965 = arith.constant 0 : i32
      %dma_start3A_966 = tpu.memref_slice %arg12[%run_scoped3A_167, %dma_start3A_965] : memref<3x128xi32, #tpu.memory_space<vmem>> -> memref<1x128xi32, #tpu.memory_space<vmem>>
      %dma_start3A_967 = tpu.memref_squeeze %dma_start3A_966 : memref<1x128xi32, #tpu.memory_space<vmem>> -> memref<128xi32, #tpu.memory_space<vmem>>
      %dma_start3A_968 = arith.constant 0 : i32
      %dma_start3A_969 = arith.constant 0 : i32
      %dma_start3A_970 = tpu.memref_slice %arg4[%dma_start3A_968, %dma_start3A_969] : memref<16384x192xf32, #tpu.memory_space<hbm>> -> memref<16384x192xf32, #tpu.memory_space<hbm>>
      tpu.enqueue_indirect_dma source(%dma_start3A_970 : memref<16384x192xf32, #tpu.memory_space<hbm>>) target(%dma_start3A_964 : memref<128x192xf32, #tpu.memory_space<vmem>>) offsets(%dma_start3A_967 : memref<128xi32, #tpu.memory_space<vmem>>) semaphore(%run_scoped3A_962 : memref<!tpu.dma_semaphore, #tpu.memory_space<semaphore_mem>>)
      %dma_wait3A = arith.constant 256 : i32
      %dma_wait3A_971 = arith.constant 0 : i32
      %dma_wait3A_972 = tpu.memref_slice %arg13[%dma_wait3A, %dma_wait3A_971] : memref<384x192xf32, #tpu.memory_space<vmem>> -> memref<128x192xf32, #tpu.memory_space<vmem>>
      %dma_wait3A_973 = arith.constant 0 : i32
      %dma_wait3A_974 = tpu.memref_slice %arg12[%run_scoped3A_167, %dma_wait3A_973] : memref<3x128xi32, #tpu.memory_space<vmem>> -> memref<1x128xi32, #tpu.memory_space<vmem>>
      %dma_wait3A_975 = tpu.memref_squeeze %dma_wait3A_974 : memref<1x128xi32, #tpu.memory_space<vmem>> -> memref<128xi32, #tpu.memory_space<vmem>>
      %dma_wait3A_976 = arith.constant 0 : i32
      %dma_wait3A_977 = arith.constant 0 : i32
      %dma_wait3A_978 = tpu.memref_slice %arg4[%dma_wait3A_976, %dma_wait3A_977] : memref<16384x192xf32, #tpu.memory_space<hbm>> -> memref<16384x192xf32, #tpu.memory_space<hbm>>
      tpu.wait_indirect_dma semaphore(%run_scoped3A_962 : memref<!tpu.dma_semaphore, #tpu.memory_space<semaphore_mem>>) src(%dma_wait3A_978 : memref<16384x192xf32, #tpu.memory_space<hbm>>) dst(%dma_wait3A_972 : memref<128x192xf32, #tpu.memory_space<vmem>>)
      tpu.yield
    }) : () -> ()
    %broadcast_in_dim3A = arith.constant 0.000000e+00 : f32
    %broadcast_in_dim3A_168 = vector.broadcast %broadcast_in_dim3A : f32 to vector<16xf32>
    %scan3A = arith.constant 0 : i32
    %scan3A_169 = arith.constant 0 : i32
    %scan3A_170 = arith.constant 168 : i32
    %scan3A_171 = arith.addi %scan3A_169, %scan3A_170 : i32
    %scan3A_172 = arith.constant 1 : i32
    %scan3A_173 = scf.for %scan3A_962 = %scan3A_169 to %scan3A_171 step %scan3A_172 iter_args(%scan3A_963 = %scan3A) -> (i32)  : i32 {
      %swap3A_964 = arith.index_cast %scan3A_962 : i32 to index
      %swap3A_965 = arith.constant 0 : index
      %swap3A_966 = tpu.vector_load %arg14[%swap3A_964, %swap3A_965] {strides = array<i32>} : memref<168x128xf32, #tpu.memory_space<vmem>>, vector<16xf32>,
      tpu.vector_store %arg14[%swap3A_964, %swap3A_965], %broadcast_in_dim3A_168 {strides = array<i32>} : memref<168x128xf32, #tpu.memory_space<vmem>>, vector<16xf32>,
      %swap3A_967 = arith.index_cast %scan3A_962 : i32 to index
      %swap3A_968 = arith.constant 16 : index
      %swap3A_969 = tpu.vector_load %arg14[%swap3A_967, %swap3A_968] {strides = array<i32>} : memref<168x128xf32, #tpu.memory_space<vmem>>, vector<16xf32>,
      tpu.vector_store %arg14[%swap3A_967, %swap3A_968], %broadcast_in_dim3A_168 {strides = array<i32>} : memref<168x128xf32, #tpu.memory_space<vmem>>, vector<16xf32>,
      %swap3A_970 = arith.index_cast %scan3A_962 : i32 to index
      %swap3A_971 = arith.constant 32 : index
      %swap3A_972 = tpu.vector_load %arg14[%swap3A_970, %swap3A_971] {strides = array<i32>} : memref<168x128xf32, #tpu.memory_space<vmem>>, vector<16xf32>,
      tpu.vector_store %arg14[%swap3A_970, %swap3A_971], %broadcast_in_dim3A_168 {strides = array<i32>} : memref<168x128xf32, #tpu.memory_space<vmem>>, vector<16xf32>,
      %swap3A_973 = arith.index_cast %scan3A_962 : i32 to index
      %swap3A_974 = arith.constant 48 : index
      %swap3A_975 = tpu.vector_load %arg14[%swap3A_973, %swap3A_974] {strides = array<i32>} : memref<168x128xf32, #tpu.memory_space<vmem>>, vector<16xf32>,
      tpu.vector_store %arg14[%swap3A_973, %swap3A_974], %broadcast_in_dim3A_168 {strides = array<i32>} : memref<168x128xf32, #tpu.memory_space<vmem>>, vector<16xf32>,
      %swap3A_976 = arith.index_cast %scan3A_962 : i32 to index
      %swap3A_977 = arith.constant 64 : index
      %swap3A_978 = tpu.vector_load %arg14[%swap3A_976, %swap3A_977] {strides = array<i32>} : memref<168x128xf32, #tpu.memory_space<vmem>>, vector<16xf32>,
      tpu.vector_store %arg14[%swap3A_976, %swap3A_977], %broadcast_in_dim3A_168 {strides = array<i32>} : memref<168x128xf32, #tpu.memory_space<vmem>>, vector<16xf32>,
      %swap3A_979 = arith.index_cast %scan3A_962 : i32 to index
      %swap3A_980 = arith.constant 80 : index
      %swap3A_981 = tpu.vector_load %arg14[%swap3A_979, %swap3A_980] {strides = array<i32>} : memref<168x128xf32, #tpu.memory_space<vmem>>, vector<16xf32>,
      tpu.vector_store %arg14[%swap3A_979, %swap3A_980], %broadcast_in_dim3A_168 {strides = array<i32>} : memref<168x128xf32, #tpu.memory_space<vmem>>, vector<16xf32>,
      %swap3A_982 = arith.index_cast %scan3A_962 : i32 to index
      %swap3A_983 = arith.constant 96 : index
      %swap3A_984 = tpu.vector_load %arg14[%swap3A_982, %swap3A_983] {strides = array<i32>} : memref<168x128xf32, #tpu.memory_space<vmem>>, vector<16xf32>,
      tpu.vector_store %arg14[%swap3A_982, %swap3A_983], %broadcast_in_dim3A_168 {strides = array<i32>} : memref<168x128xf32, #tpu.memory_space<vmem>>, vector<16xf32>,
      %swap3A_985 = arith.index_cast %scan3A_962 : i32 to index
      %swap3A_986 = arith.constant 112 : index
      %swap3A_987 = tpu.vector_load %arg14[%swap3A_985, %swap3A_986] {strides = array<i32>} : memref<168x128xf32, #tpu.memory_space<vmem>>, vector<16xf32>,
      tpu.vector_store %arg14[%swap3A_985, %swap3A_986], %broadcast_in_dim3A_168 {strides = array<i32>} : memref<168x128xf32, #tpu.memory_space<vmem>>, vector<16xf32>,
      %scan3A_988 = arith.constant 0 : i32
      scf.yield %scan3A_988 : i32
    }
    %scan3A_174 = arith.constant 168 : i32
    %eq3A = arith.constant 0 : i32
    %eq3A_175 = arith.cmpi eq, %arg1, %eq3A : i32
    %convert_element_type3A = arith.extui %eq3A_175 : i1 to i32
    %cond3A = arith.constant 0 : i32
    %cond3A_176 = arith.cmpi ne, %convert_element_type3A, %cond3A : i32
    scf.if %cond3A_176 {
      "tpu.region"() ({
        %run_scoped3A_962 = tpu.sem_alloc : memref<!tpu.dma_semaphore, #tpu.memory_space<semaphore_mem>>
        tpu.enqueue_dma source(%arg14 : memref<168x128xf32, #tpu.memory_space<vmem>>) target(%arg20 : memref<168x128xf32, #tpu.memory_space<vmem_shared>>) target_semaphore(%run_scoped3A_962 : memref<!tpu.dma_semaphore, #tpu.memory_space<semaphore_mem>>)
        tpu.wait_dma2 semaphore(%run_scoped3A_962 : memref<!tpu.dma_semaphore, #tpu.memory_space<semaphore_mem>>) src(%arg14 : memref<168x128xf32, #tpu.memory_space<vmem>>) dst(%arg20 : memref<168x128xf32, #tpu.memory_space<vmem_shared>>)
        tpu.yield
      }) : () -> ()
    } else {
    }
    %barrier3A = arith.constant 0 : index
    tpu.barrier barrier_id(%barrier3A)
    %scan3A_177 = arith.constant 0 : i32
    %scan3A_178 = arith.constant 0 : i32
    %scan3A_179 = arith.constant 384 : i32
    %scan3A_180 = arith.addi %scan3A_178, %scan3A_179 : i32
    %scan3A_181 = arith.constant 1 : i32
    %scan3A_182 = scf.for %scan3A_962 = %scan3A_178 to %scan3A_180 step %scan3A_181 iter_args(%scan3A_963 = %scan3A_177) -> (i32)  : i32 {
      %add3A_964 = arith.addi %mul3A_0, %scan3A_962 : i32
      %get3A_965 = arith.index_cast %scan3A_962 : i32 to index
      %get3A_966 = tpu.vector_load %arg15[%get3A_965] {strides = array<i32>} : memref<400xi32, #tpu.memory_space<vmem>>, vector<16xi32>,
      %slice3A = vector.extract_strided_slice %get3A_966 {offsets = [0], sizes = [1], strides = [1]} : vector<16xi32> to vector<1xi32>
      %squeeze3A = vector.extract %slice3A[0] : i32 from vector<1xi32>
      %lt3A = arith.constant 5929 : i32
      %lt3A_967 = arith.cmpi slt, %add3A_964, %lt3A : i32
      %broadcast_in_dim3A_968 = vector.broadcast %lt3A_967 : i1 to vector<16xi1>
      %get3A_969 = arith.index_cast %scan3A_962 : i32 to index
      %get3A_970 = arith.constant 0 : index
      %get3A_971 = tpu.vector_load %arg13[%get3A_969, %get3A_970] {strides = array<i32>} : memref<384x192xf32, #tpu.memory_space<vmem>>, vector<16xf32>,
      %get3A_972 = arith.constant 0 : index
      %get3A_973 = tpu.vector_load %arg16[%get3A_972] {strides = array<i32>} : memref<192xi32, #tpu.memory_space<vmem>>, vector<16xi32>,
      %add3A_974 = vector.broadcast %squeeze3A : i32 to vector<16xi32>
      %add3A_975 = arith.addi %get3A_973, %add3A_974 : vector<16xi32>
      %shift_right_logical3A_976 = arith.constant 7 : i32
      %shift_right_logical3A_977 = vector.broadcast %shift_right_logical3A_976 : i32 to vector<16xi32>
      %shift_right_logical3A_978 = arith.shrui %add3A_975, %shift_right_logical3A_977 : vector<16xi32>
      %and3A_979 = arith.constant 127 : i32
      %and3A_980 = vector.broadcast %and3A_979 : i32 to vector<16xi32>
      %and3A_981 = arith.andi %add3A_975, %and3A_980 : vector<16xi32>
      tpu.vector_store_idx %arg14[%shift_right_logical3A_978, %and3A_981], %get3A_971 masked %broadcast_in_dim3A_968 {add = true} : memref<168x128xf32, #tpu.memory_space<vmem>>[vector<16xi32>, vector<16xi32>], vector<16xf32>, vector<16xi1>
      %get3A_982 = arith.index_cast %scan3A_962 : i32 to index
      %get3A_983 = arith.constant 16 : index
      %get3A_984 = tpu.vector_load %arg13[%get3A_982, %get3A_983] {strides = array<i32>} : memref<384x192xf32, #tpu.memory_space<vmem>>, vector<16xf32>,
      %get3A_985 = arith.constant 16 : index
      %get3A_986 = tpu.vector_load %arg16[%get3A_985] {strides = array<i32>} : memref<192xi32, #tpu.memory_space<vmem>>, vector<16xi32>,
      %add3A_987 = vector.broadcast %squeeze3A : i32 to vector<16xi32>
      %add3A_988 = arith.addi %get3A_986, %add3A_987 : vector<16xi32>
      %shift_right_logical3A_989 = arith.constant 7 : i32
      %shift_right_logical3A_990 = vector.broadcast %shift_right_logical3A_989 : i32 to vector<16xi32>
      %shift_right_logical3A_991 = arith.shrui %add3A_988, %shift_right_logical3A_990 : vector<16xi32>
      %and3A_992 = arith.constant 127 : i32
      %and3A_993 = vector.broadcast %and3A_992 : i32 to vector<16xi32>
      %and3A_994 = arith.andi %add3A_988, %and3A_993 : vector<16xi32>
      tpu.vector_store_idx %arg14[%shift_right_logical3A_991, %and3A_994], %get3A_984 masked %broadcast_in_dim3A_968 {add = true} : memref<168x128xf32, #tpu.memory_space<vmem>>[vector<16xi32>, vector<16xi32>], vector<16xf32>, vector<16xi1>
      %get3A_995 = arith.index_cast %scan3A_962 : i32 to index
      %get3A_996 = arith.constant 32 : index
      %get3A_997 = tpu.vector_load %arg13[%get3A_995, %get3A_996] {strides = array<i32>} : memref<384x192xf32, #tpu.memory_space<vmem>>, vector<16xf32>,
      %get3A_998 = arith.constant 32 : index
      %get3A_999 = tpu.vector_load %arg16[%get3A_998] {strides = array<i32>} : memref<192xi32, #tpu.memory_space<vmem>>, vector<16xi32>,
      %add3A_1000 = vector.broadcast %squeeze3A : i32 to vector<16xi32>
      %add3A_1001 = arith.addi %get3A_999, %add3A_1000 : vector<16xi32>
      %shift_right_logical3A_1002 = arith.constant 7 : i32
      %shift_right_logical3A_1003 = vector.broadcast %shift_right_logical3A_1002 : i32 to vector<16xi32>
      %shift_right_logical3A_1004 = arith.shrui %add3A_1001, %shift_right_logical3A_1003 : vector<16xi32>
      %and3A_1005 = arith.constant 127 : i32
      %and3A_1006 = vector.broadcast %and3A_1005 : i32 to vector<16xi32>
      %and3A_1007 = arith.andi %add3A_1001, %and3A_1006 : vector<16xi32>
      tpu.vector_store_idx %arg14[%shift_right_logical3A_1004, %and3A_1007], %get3A_997 masked %broadcast_in_dim3A_968 {add = true} : memref<168x128xf32, #tpu.memory_space<vmem>>[vector<16xi32>, vector<16xi32>], vector<16xf32>, vector<16xi1>
      %get3A_1008 = arith.index_cast %scan3A_962 : i32 to index
      %get3A_1009 = arith.constant 48 : index
      %get3A_1010 = tpu.vector_load %arg13[%get3A_1008, %get3A_1009] {strides = array<i32>} : memref<384x192xf32, #tpu.memory_space<vmem>>, vector<16xf32>,
      %get3A_1011 = arith.constant 48 : index
      %get3A_1012 = tpu.vector_load %arg16[%get3A_1011] {strides = array<i32>} : memref<192xi32, #tpu.memory_space<vmem>>, vector<16xi32>,
      %add3A_1013 = vector.broadcast %squeeze3A : i32 to vector<16xi32>
      %add3A_1014 = arith.addi %get3A_1012, %add3A_1013 : vector<16xi32>
      %shift_right_logical3A_1015 = arith.constant 7 : i32
      %shift_right_logical3A_1016 = vector.broadcast %shift_right_logical3A_1015 : i32 to vector<16xi32>
      %shift_right_logical3A_1017 = arith.shrui %add3A_1014, %shift_right_logical3A_1016 : vector<16xi32>
      %and3A_1018 = arith.constant 127 : i32
      %and3A_1019 = vector.broadcast %and3A_1018 : i32 to vector<16xi32>
      %and3A_1020 = arith.andi %add3A_1014, %and3A_1019 : vector<16xi32>
      tpu.vector_store_idx %arg14[%shift_right_logical3A_1017, %and3A_1020], %get3A_1010 masked %broadcast_in_dim3A_968 {add = true} : memref<168x128xf32, #tpu.memory_space<vmem>>[vector<16xi32>, vector<16xi32>], vector<16xf32>, vector<16xi1>
      %get3A_1021 = arith.index_cast %scan3A_962 : i32 to index
      %get3A_1022 = arith.constant 64 : index
      %get3A_1023 = tpu.vector_load %arg13[%get3A_1021, %get3A_1022] {strides = array<i32>} : memref<384x192xf32, #tpu.memory_space<vmem>>, vector<16xf32>,
      %get3A_1024 = arith.constant 64 : index
      %get3A_1025 = tpu.vector_load %arg16[%get3A_1024] {strides = array<i32>} : memref<192xi32, #tpu.memory_space<vmem>>, vector<16xi32>,
      %add3A_1026 = vector.broadcast %squeeze3A : i32 to vector<16xi32>
      %add3A_1027 = arith.addi %get3A_1025, %add3A_1026 : vector<16xi32>
      %shift_right_logical3A_1028 = arith.constant 7 : i32
      %shift_right_logical3A_1029 = vector.broadcast %shift_right_logical3A_1028 : i32 to vector<16xi32>
      %shift_right_logical3A_1030 = arith.shrui %add3A_1027, %shift_right_logical3A_1029 : vector<16xi32>
      %and3A_1031 = arith.constant 127 : i32
      %and3A_1032 = vector.broadcast %and3A_1031 : i32 to vector<16xi32>
      %and3A_1033 = arith.andi %add3A_1027, %and3A_1032 : vector<16xi32>
      tpu.vector_store_idx %arg14[%shift_right_logical3A_1030, %and3A_1033], %get3A_1023 masked %broadcast_in_dim3A_968 {add = true} : memref<168x128xf32, #tpu.memory_space<vmem>>[vector<16xi32>, vector<16xi32>], vector<16xf32>, vector<16xi1>
      %get3A_1034 = arith.index_cast %scan3A_962 : i32 to index
      %get3A_1035 = arith.constant 80 : index
      %get3A_1036 = tpu.vector_load %arg13[%get3A_1034, %get3A_1035] {strides = array<i32>} : memref<384x192xf32, #tpu.memory_space<vmem>>, vector<16xf32>,
      %get3A_1037 = arith.constant 80 : index
      %get3A_1038 = tpu.vector_load %arg16[%get3A_1037] {strides = array<i32>} : memref<192xi32, #tpu.memory_space<vmem>>, vector<16xi32>,
      %add3A_1039 = vector.broadcast %squeeze3A : i32 to vector<16xi32>
      %add3A_1040 = arith.addi %get3A_1038, %add3A_1039 : vector<16xi32>
      %shift_right_logical3A_1041 = arith.constant 7 : i32
      %shift_right_logical3A_1042 = vector.broadcast %shift_right_logical3A_1041 : i32 to vector<16xi32>
      %shift_right_logical3A_1043 = arith.shrui %add3A_1040, %shift_right_logical3A_1042 : vector<16xi32>
      %and3A_1044 = arith.constant 127 : i32
      %and3A_1045 = vector.broadcast %and3A_1044 : i32 to vector<16xi32>
      %and3A_1046 = arith.andi %add3A_1040, %and3A_1045 : vector<16xi32>
      tpu.vector_store_idx %arg14[%shift_right_logical3A_1043, %and3A_1046], %get3A_1036 masked %broadcast_in_dim3A_968 {add = true} : memref<168x128xf32, #tpu.memory_space<vmem>>[vector<16xi32>, vector<16xi32>], vector<16xf32>, vector<16xi1>
      %get3A_1047 = arith.index_cast %scan3A_962 : i32 to index
      %get3A_1048 = arith.constant 96 : index
      %get3A_1049 = tpu.vector_load %arg13[%get3A_1047, %get3A_1048] {strides = array<i32>} : memref<384x192xf32, #tpu.memory_space<vmem>>, vector<16xf32>,
      %get3A_1050 = arith.constant 96 : index
      %get3A_1051 = tpu.vector_load %arg16[%get3A_1050] {strides = array<i32>} : memref<192xi32, #tpu.memory_space<vmem>>, vector<16xi32>,
      %add3A_1052 = vector.broadcast %squeeze3A : i32 to vector<16xi32>
      %add3A_1053 = arith.addi %get3A_1051, %add3A_1052 : vector<16xi32>
      %shift_right_logical3A_1054 = arith.constant 7 : i32
      %shift_right_logical3A_1055 = vector.broadcast %shift_right_logical3A_1054 : i32 to vector<16xi32>
      %shift_right_logical3A_1056 = arith.shrui %add3A_1053, %shift_right_logical3A_1055 : vector<16xi32>
      %and3A_1057 = arith.constant 127 : i32
      %and3A_1058 = vector.broadcast %and3A_1057 : i32 to vector<16xi32>
      %and3A_1059 = arith.andi %add3A_1053, %and3A_1058 : vector<16xi32>
      tpu.vector_store_idx %arg14[%shift_right_logical3A_1056, %and3A_1059], %get3A_1049 masked %broadcast_in_dim3A_968 {add = true} : memref<168x128xf32, #tpu.memory_space<vmem>>[vector<16xi32>, vector<16xi32>], vector<16xf32>, vector<16xi1>
      %get3A_1060 = arith.index_cast %scan3A_962 : i32 to index
      %get3A_1061 = arith.constant 112 : index
      %get3A_1062 = tpu.vector_load %arg13[%get3A_1060, %get3A_1061] {strides = array<i32>} : memref<384x192xf32, #tpu.memory_space<vmem>>, vector<16xf32>,
      %get3A_1063 = arith.constant 112 : index
      %get3A_1064 = tpu.vector_load %arg16[%get3A_1063] {strides = array<i32>} : memref<192xi32, #tpu.memory_space<vmem>>, vector<16xi32>,
      %add3A_1065 = vector.broadcast %squeeze3A : i32 to vector<16xi32>
      %add3A_1066 = arith.addi %get3A_1064, %add3A_1065 : vector<16xi32>
      %shift_right_logical3A_1067 = arith.constant 7 : i32
      %shift_right_logical3A_1068 = vector.broadcast %shift_right_logical3A_1067 : i32 to vector<16xi32>
      %shift_right_logical3A_1069 = arith.shrui %add3A_1066, %shift_right_logical3A_1068 : vector<16xi32>
      %and3A_1070 = arith.constant 127 : i32
      %and3A_1071 = vector.broadcast %and3A_1070 : i32 to vector<16xi32>
      %and3A_1072 = arith.andi %add3A_1066, %and3A_1071 : vector<16xi32>
      tpu.vector_store_idx %arg14[%shift_right_logical3A_1069, %and3A_1072], %get3A_1062 masked %broadcast_in_dim3A_968 {add = true} : memref<168x128xf32, #tpu.memory_space<vmem>>[vector<16xi32>, vector<16xi32>], vector<16xf32>, vector<16xi1>
      %get3A_1073 = arith.index_cast %scan3A_962 : i32 to index
      %get3A_1074 = arith.constant 128 : index
      %get3A_1075 = tpu.vector_load %arg13[%get3A_1073, %get3A_1074] {strides = array<i32>} : memref<384x192xf32, #tpu.memory_space<vmem>>, vector<16xf32>,
      %get3A_1076 = arith.constant 128 : index
      %get3A_1077 = tpu.vector_load %arg16[%get3A_1076] {strides = array<i32>} : memref<192xi32, #tpu.memory_space<vmem>>, vector<16xi32>,
      %add3A_1078 = vector.broadcast %squeeze3A : i32 to vector<16xi32>
      %add3A_1079 = arith.addi %get3A_1077, %add3A_1078 : vector<16xi32>
      %shift_right_logical3A_1080 = arith.constant 7 : i32
      %shift_right_logical3A_1081 = vector.broadcast %shift_right_logical3A_1080 : i32 to vector<16xi32>
      %shift_right_logical3A_1082 = arith.shrui %add3A_1079, %shift_right_logical3A_1081 : vector<16xi32>
      %and3A_1083 = arith.constant 127 : i32
      %and3A_1084 = vector.broadcast %and3A_1083 : i32 to vector<16xi32>
      %and3A_1085 = arith.andi %add3A_1079, %and3A_1084 : vector<16xi32>
      tpu.vector_store_idx %arg14[%shift_right_logical3A_1082, %and3A_1085], %get3A_1075 masked %broadcast_in_dim3A_968 {add = true} : memref<168x128xf32, #tpu.memory_space<vmem>>[vector<16xi32>, vector<16xi32>], vector<16xf32>, vector<16xi1>
      %get3A_1086 = arith.index_cast %scan3A_962 : i32 to index
      %get3A_1087 = arith.constant 144 : index
      %get3A_1088 = tpu.vector_load %arg13[%get3A_1086, %get3A_1087] {strides = array<i32>} : memref<384x192xf32, #tpu.memory_space<vmem>>, vector<16xf32>,
      %get3A_1089 = arith.constant 144 : index
      %get3A_1090 = tpu.vector_load %arg16[%get3A_1089] {strides = array<i32>} : memref<192xi32, #tpu.memory_space<vmem>>, vector<16xi32>,
      %add3A_1091 = vector.broadcast %squeeze3A : i32 to vector<16xi32>
      %add3A_1092 = arith.addi %get3A_1090, %add3A_1091 : vector<16xi32>
      %shift_right_logical3A_1093 = arith.constant 7 : i32
      %shift_right_logical3A_1094 = vector.broadcast %shift_right_logical3A_1093 : i32 to vector<16xi32>
      %shift_right_logical3A_1095 = arith.shrui %add3A_1092, %shift_right_logical3A_1094 : vector<16xi32>
      %and3A_1096 = arith.constant 127 : i32
      %and3A_1097 = vector.broadcast %and3A_1096 : i32 to vector<16xi32>
      %and3A_1098 = arith.andi %add3A_1092, %and3A_1097 : vector<16xi32>
      tpu.vector_store_idx %arg14[%shift_right_logical3A_1095, %and3A_1098], %get3A_1088 masked %broadcast_in_dim3A_968 {add = true} : memref<168x128xf32, #tpu.memory_space<vmem>>[vector<16xi32>, vector<16xi32>], vector<16xf32>, vector<16xi1>
      %get3A_1099 = arith.index_cast %scan3A_962 : i32 to index
      %get3A_1100 = arith.constant 160 : index
      %get3A_1101 = tpu.vector_load %arg13[%get3A_1099, %get3A_1100] {strides = array<i32>} : memref<384x192xf32, #tpu.memory_space<vmem>>, vector<16xf32>,
      %get3A_1102 = arith.constant 160 : index
      %get3A_1103 = tpu.vector_load %arg16[%get3A_1102] {strides = array<i32>} : memref<192xi32, #tpu.memory_space<vmem>>, vector<16xi32>,
      %add3A_1104 = vector.broadcast %squeeze3A : i32 to vector<16xi32>
      %add3A_1105 = arith.addi %get3A_1103, %add3A_1104 : vector<16xi32>
      %shift_right_logical3A_1106 = arith.constant 7 : i32
      %shift_right_logical3A_1107 = vector.broadcast %shift_right_logical3A_1106 : i32 to vector<16xi32>
      %shift_right_logical3A_1108 = arith.shrui %add3A_1105, %shift_right_logical3A_1107 : vector<16xi32>
      %and3A_1109 = arith.constant 127 : i32
      %and3A_1110 = vector.broadcast %and3A_1109 : i32 to vector<16xi32>
      %and3A_1111 = arith.andi %add3A_1105, %and3A_1110 : vector<16xi32>
      tpu.vector_store_idx %arg14[%shift_right_logical3A_1108, %and3A_1111], %get3A_1101 masked %broadcast_in_dim3A_968 {add = true} : memref<168x128xf32, #tpu.memory_space<vmem>>[vector<16xi32>, vector<16xi32>], vector<16xf32>, vector<16xi1>
      %get3A_1112 = arith.index_cast %scan3A_962 : i32 to index
      %get3A_1113 = arith.constant 176 : index
      %get3A_1114 = tpu.vector_load %arg13[%get3A_1112, %get3A_1113] {strides = array<i32>} : memref<384x192xf32, #tpu.memory_space<vmem>>, vector<16xf32>,
      %get3A_1115 = arith.constant 176 : index
      %get3A_1116 = tpu.vector_load %arg16[%get3A_1115] {strides = array<i32>} : memref<192xi32, #tpu.memory_space<vmem>>, vector<16xi32>,
      %add3A_1117 = vector.broadcast %squeeze3A : i32 to vector<16xi32>
      %add3A_1118 = arith.addi %get3A_1116, %add3A_1117 : vector<16xi32>
      %shift_right_logical3A_1119 = arith.constant 7 : i32
      %shift_right_logical3A_1120 = vector.broadcast %shift_right_logical3A_1119 : i32 to vector<16xi32>
      %shift_right_logical3A_1121 = arith.shrui %add3A_1118, %shift_right_logical3A_1120 : vector<16xi32>
      %and3A_1122 = arith.constant 127 : i32
      %and3A_1123 = vector.broadcast %and3A_1122 : i32 to vector<16xi32>
      %and3A_1124 = arith.andi %add3A_1118, %and3A_1123 : vector<16xi32>
      tpu.vector_store_idx %arg14[%shift_right_logical3A_1121, %and3A_1124], %get3A_1114 masked %broadcast_in_dim3A_968 {add = true} : memref<168x128xf32, #tpu.memory_space<vmem>>[vector<16xi32>, vector<16xi32>], vector<16xf32>, vector<16xi1>
      %scan3A_1125 = arith.constant 0 : i32
      scf.yield %scan3A_1125 : i32
    }
    %scan3A_183 = arith.constant 384 : i32
    %run_scoped3A_184 = arith.constant 0 : i32
    "tpu.region"() ({
      %run_scoped3A_962 = tpu.sem_alloc : memref<!tpu.dma_semaphore, #tpu.memory_space<semaphore_mem>>
      %dma_start3A = arith.constant 0 : i32
      %dma_start3A_963 = arith.constant 0 : i32
      %dma_start3A_964 = tpu.memref_slice %arg14[%dma_start3A, %dma_start3A_963] : memref<168x128xf32, #tpu.memory_space<vmem>> -> memref<84x128xf32, #tpu.memory_space<vmem>>
      %dma_start3A_965 = arith.constant 0 : i32
      %dma_start3A_966 = tpu.memref_slice %arg18[%run_scoped3A_184, %dma_start3A_965] : memref<2x84xi32, #tpu.memory_space<vmem>> -> memref<1x84xi32, #tpu.memory_space<vmem>>
      %dma_start3A_967 = tpu.memref_squeeze %dma_start3A_966 : memref<1x84xi32, #tpu.memory_space<vmem>> -> memref<84xi32, #tpu.memory_space<vmem>>
      %dma_start3A_968 = arith.constant 0 : i32
      %dma_start3A_969 = arith.constant 0 : i32
      %dma_start3A_970 = tpu.memref_slice %arg20[%dma_start3A_968, %dma_start3A_969] : memref<168x128xf32, #tpu.memory_space<vmem_shared>> -> memref<168x128xf32, #tpu.memory_space<vmem_shared>>
      tpu.enqueue_indirect_dma source(%dma_start3A_964 : memref<84x128xf32, #tpu.memory_space<vmem>>) target(%dma_start3A_970 : memref<168x128xf32, #tpu.memory_space<vmem_shared>>) offsets(%dma_start3A_967 : memref<84xi32, #tpu.memory_space<vmem>>) semaphore(%run_scoped3A_962 : memref<!tpu.dma_semaphore, #tpu.memory_space<semaphore_mem>>) {add = true}
      %dma_wait3A = arith.constant 0 : i32
      %dma_wait3A_971 = arith.constant 0 : i32
      %dma_wait3A_972 = tpu.memref_slice %arg14[%dma_wait3A, %dma_wait3A_971] : memref<168x128xf32, #tpu.memory_space<vmem>> -> memref<84x128xf32, #tpu.memory_space<vmem>>
      %dma_wait3A_973 = arith.constant 0 : i32
      %dma_wait3A_974 = tpu.memref_slice %arg18[%run_scoped3A_184, %dma_wait3A_973] : memref<2x84xi32, #tpu.memory_space<vmem>> -> memref<1x84xi32, #tpu.memory_space<vmem>>
      %dma_wait3A_975 = tpu.memref_squeeze %dma_wait3A_974 : memref<1x84xi32, #tpu.memory_space<vmem>> -> memref<84xi32, #tpu.memory_space<vmem>>
      %dma_wait3A_976 = arith.constant 0 : i32
      %dma_wait3A_977 = arith.constant 0 : i32
      %dma_wait3A_978 = tpu.memref_slice %arg20[%dma_wait3A_976, %dma_wait3A_977] : memref<168x128xf32, #tpu.memory_space<vmem_shared>> -> memref<168x128xf32, #tpu.memory_space<vmem_shared>>
      tpu.wait_indirect_dma semaphore(%run_scoped3A_962 : memref<!tpu.dma_semaphore, #tpu.memory_space<semaphore_mem>>) src(%dma_wait3A_972 : memref<84x128xf32, #tpu.memory_space<vmem>>) dst(%dma_wait3A_978 : memref<168x128xf32, #tpu.memory_space<vmem_shared>>)
      tpu.yield
    }) : () -> ()
    %run_scoped3A_185 = arith.constant 1 : i32
    "tpu.region"() ({
      %run_scoped3A_962 = tpu.sem_alloc : memref<!tpu.dma_semaphore, #tpu.memory_space<semaphore_mem>>
      %dma_start3A = arith.constant 84 : i32
      %dma_start3A_963 = arith.constant 0 : i32
      %dma_start3A_964 = tpu.memref_slice %arg14[%dma_start3A, %dma_start3A_963] : memref<168x128xf32, #tpu.memory_space<vmem>> -> memref<84x128xf32, #tpu.memory_space<vmem>>
      %dma_start3A_965 = arith.constant 0 : i32
      %dma_start3A_966 = tpu.memref_slice %arg18[%run_scoped3A_185, %dma_start3A_965] : memref<2x84xi32, #tpu.memory_space<vmem>> -> memref<1x84xi32, #tpu.memory_space<vmem>>
      %dma_start3A_967 = tpu.memref_squeeze %dma_start3A_966 : memref<1x84xi32, #tpu.memory_space<vmem>> -> memref<84xi32, #tpu.memory_space<vmem>>
      %dma_start3A_968 = arith.constant 0 : i32
      %dma_start3A_969 = arith.constant 0 : i32
      %dma_start3A_970 = tpu.memref_slice %arg20[%dma_start3A_968, %dma_start3A_969] : memref<168x128xf32, #tpu.memory_space<vmem_shared>> -> memref<168x128xf32, #tpu.memory_space<vmem_shared>>
      tpu.enqueue_indirect_dma source(%dma_start3A_964 : memref<84x128xf32, #tpu.memory_space<vmem>>) target(%dma_start3A_970 : memref<168x128xf32, #tpu.memory_space<vmem_shared>>) offsets(%dma_start3A_967 : memref<84xi32, #tpu.memory_space<vmem>>) semaphore(%run_scoped3A_962 : memref<!tpu.dma_semaphore, #tpu.memory_space<semaphore_mem>>) {add = true}
      %dma_wait3A = arith.constant 84 : i32
      %dma_wait3A_971 = arith.constant 0 : i32
      %dma_wait3A_972 = tpu.memref_slice %arg14[%dma_wait3A, %dma_wait3A_971] : memref<168x128xf32, #tpu.memory_space<vmem>> -> memref<84x128xf32, #tpu.memory_space<vmem>>
      %dma_wait3A_973 = arith.constant 0 : i32
      %dma_wait3A_974 = tpu.memref_slice %arg18[%run_scoped3A_185, %dma_wait3A_973] : memref<2x84xi32, #tpu.memory_space<vmem>> -> memref<1x84xi32, #tpu.memory_space<vmem>>
      %dma_wait3A_975 = tpu.memref_squeeze %dma_wait3A_974 : memref<1x84xi32, #tpu.memory_space<vmem>> -> memref<84xi32, #tpu.memory_space<vmem>>
      %dma_wait3A_976 = arith.constant 0 : i32
      %dma_wait3A_977 = arith.constant 0 : i32
      %dma_wait3A_978 = tpu.memref_slice %arg20[%dma_wait3A_976, %dma_wait3A_977] : memref<168x128xf32, #tpu.memory_space<vmem_shared>> -> memref<168x128xf32, #tpu.memory_space<vmem_shared>>
      tpu.wait_indirect_dma semaphore(%run_scoped3A_962 : memref<!tpu.dma_semaphore, #tpu.memory_space<semaphore_mem>>) src(%dma_wait3A_972 : memref<84x128xf32, #tpu.memory_space<vmem>>) dst(%dma_wait3A_978 : memref<168x128xf32, #tpu.memory_space<vmem_shared>>)
      tpu.yield
    }) : () -> ()
    %barrier3A_186 = arith.constant 0 : index
    tpu.barrier barrier_id(%barrier3A_186)
    "tpu.region"() ({
      %run_scoped3A_962 = tpu.sem_alloc : memref<!tpu.dma_semaphore, #tpu.memory_space<semaphore_mem>>
      tpu.enqueue_dma source(%arg20 : memref<168x128xf32, #tpu.memory_space<vmem_shared>>) target(%arg14 : memref<168x128xf32, #tpu.memory_space<vmem>>) target_semaphore(%run_scoped3A_962 : memref<!tpu.dma_semaphore, #tpu.memory_space<semaphore_mem>>)
      tpu.wait_dma2 semaphore(%run_scoped3A_962 : memref<!tpu.dma_semaphore, #tpu.memory_space<semaphore_mem>>) src(%arg20 : memref<168x128xf32, #tpu.memory_space<vmem_shared>>) dst(%arg14 : memref<168x128xf32, #tpu.memory_space<vmem>>)
      tpu.yield
    }) : () -> ()
    %broadcast_in_dim3A_187 = arith.constant 0xFF800000 : f32
    %broadcast_in_dim3A_188 = vector.broadcast %broadcast_in_dim3A_187 : f32 to vector<16xf32>
    %scan3A_189 = arith.constant 0 : i32
    %scan3A_190 = arith.constant 192 : i32
    %scan3A_191 = arith.addi %scan3A_189, %scan3A_190 : i32
    %scan3A_192 = arith.constant 1 : i32
    %scan3A_193 = scf.for %scan3A_962 = %scan3A_189 to %scan3A_191 step %scan3A_192 iter_args(%scan3A_963 = %broadcast_in_dim3A_188) -> (vector<16xf32>)  : i32 {
      %shift_right_logical3A_964 = arith.constant 6 : i32
      %shift_right_logical3A_965 = arith.shrui %scan3A_962, %shift_right_logical3A_964 : i32
      %and3A_966 = arith.constant 63 : i32
      %and3A_967 = arith.andi %scan3A_962, %and3A_966 : i32
      %mul3A_968 = arith.constant 7056 : i32
      %mul3A_969 = arith.muli %shift_right_logical3A_965, %mul3A_968 : i32
      %add3A_970 = arith.constant 10 : i32
      %add3A_971 = arith.addi %and3A_967, %add3A_970 : i32
      %mul3A_972 = arith.constant 84 : i32
      %mul3A_973 = arith.muli %add3A_971, %mul3A_972 : i32
      %add3A_974 = arith.addi %mul3A_969, %mul3A_973 : i32
      %add3A_975 = arith.constant 10 : i32
      %add3A_976 = arith.addi %add3A_974, %add3A_975 : i32
      %add3A_977 = arith.constant 0 : i32
      %add3A_978 = arith.addi %add3A_976, %add3A_977 : i32
      %iota3A = tpu.iota {dimensions = array<i32: 0>} : vector<16xi32>
      %add3A_979 = vector.broadcast %add3A_978 : i32 to vector<16xi32>
      %add3A_980 = arith.addi %add3A_979, %iota3A : vector<16xi32>
      %shift_right_logical3A_981 = arith.constant 7 : i32
      %shift_right_logical3A_982 = vector.broadcast %shift_right_logical3A_981 : i32 to vector<16xi32>
      %shift_right_logical3A_983 = arith.shrui %add3A_980, %shift_right_logical3A_982 : vector<16xi32>
      %and3A_984 = arith.constant 127 : i32
      %and3A_985 = vector.broadcast %and3A_984 : i32 to vector<16xi32>
      %and3A_986 = arith.andi %add3A_980, %and3A_985 : vector<16xi32>
      %gather3A_987 = tpu.vector_load_idx %arg14[%shift_right_logical3A_983, %and3A_986] : memref<168x128xf32, #tpu.memory_space<vmem>>[vector<16xi32>, vector<16xi32>], vector<16xf32>,
      %max3A = arith.maximumf %scan3A_963, %gather3A_987 : vector<16xf32>
      %add3A_988 = arith.constant 16 : i32
      %add3A_989 = arith.addi %add3A_976, %add3A_988 : i32
      %iota3A_990 = tpu.iota {dimensions = array<i32: 0>} : vector<16xi32>
      %add3A_991 = vector.broadcast %add3A_989 : i32 to vector<16xi32>
      %add3A_992 = arith.addi %add3A_991, %iota3A_990 : vector<16xi32>
      %shift_right_logical3A_993 = arith.constant 7 : i32
      %shift_right_logical3A_994 = vector.broadcast %shift_right_logical3A_993 : i32 to vector<16xi32>
      %shift_right_logical3A_995 = arith.shrui %add3A_992, %shift_right_logical3A_994 : vector<16xi32>
      %and3A_996 = arith.constant 127 : i32
      %and3A_997 = vector.broadcast %and3A_996 : i32 to vector<16xi32>
      %and3A_998 = arith.andi %add3A_992, %and3A_997 : vector<16xi32>
      %gather3A_999 = tpu.vector_load_idx %arg14[%shift_right_logical3A_995, %and3A_998] : memref<168x128xf32, #tpu.memory_space<vmem>>[vector<16xi32>, vector<16xi32>], vector<16xf32>,
      %max3A_1000 = arith.maximumf %max3A, %gather3A_999 : vector<16xf32>
      %add3A_1001 = arith.constant 32 : i32
      %add3A_1002 = arith.addi %add3A_976, %add3A_1001 : i32
      %iota3A_1003 = tpu.iota {dimensions = array<i32: 0>} : vector<16xi32>
      %add3A_1004 = vector.broadcast %add3A_1002 : i32 to vector<16xi32>
      %add3A_1005 = arith.addi %add3A_1004, %iota3A_1003 : vector<16xi32>
      %shift_right_logical3A_1006 = arith.constant 7 : i32
      %shift_right_logical3A_1007 = vector.broadcast %shift_right_logical3A_1006 : i32 to vector<16xi32>
      %shift_right_logical3A_1008 = arith.shrui %add3A_1005, %shift_right_logical3A_1007 : vector<16xi32>
      %and3A_1009 = arith.constant 127 : i32
      %and3A_1010 = vector.broadcast %and3A_1009 : i32 to vector<16xi32>
      %and3A_1011 = arith.andi %add3A_1005, %and3A_1010 : vector<16xi32>
      %gather3A_1012 = tpu.vector_load_idx %arg14[%shift_right_logical3A_1008, %and3A_1011] : memref<168x128xf32, #tpu.memory_space<vmem>>[vector<16xi32>, vector<16xi32>], vector<16xf32>,
      %max3A_1013 = arith.maximumf %max3A_1000, %gather3A_1012 : vector<16xf32>
      %add3A_1014 = arith.constant 48 : i32
      %add3A_1015 = arith.addi %add3A_976, %add3A_1014 : i32
      %iota3A_1016 = tpu.iota {dimensions = array<i32: 0>} : vector<16xi32>
      %add3A_1017 = vector.broadcast %add3A_1015 : i32 to vector<16xi32>
      %add3A_1018 = arith.addi %add3A_1017, %iota3A_1016 : vector<16xi32>
      %shift_right_logical3A_1019 = arith.constant 7 : i32
      %shift_right_logical3A_1020 = vector.broadcast %shift_right_logical3A_1019 : i32 to vector<16xi32>
      %shift_right_logical3A_1021 = arith.shrui %add3A_1018, %shift_right_logical3A_1020 : vector<16xi32>
      %and3A_1022 = arith.constant 127 : i32
      %and3A_1023 = vector.broadcast %and3A_1022 : i32 to vector<16xi32>
      %and3A_1024 = arith.andi %add3A_1018, %and3A_1023 : vector<16xi32>
      %gather3A_1025 = tpu.vector_load_idx %arg14[%shift_right_logical3A_1021, %and3A_1024] : memref<168x128xf32, #tpu.memory_space<vmem>>[vector<16xi32>, vector<16xi32>], vector<16xf32>,
      %max3A_1026 = arith.maximumf %max3A_1013, %gather3A_1025 : vector<16xf32>
      scf.yield %max3A_1026 : vector<16xf32>
    }
    %scan3A_194 = arith.constant 192 : i32
    %reduce_max3A = arith.constant true
    %reduce_max3A_195 = vector.broadcast %reduce_max3A : i1 to vector<16xi1>
    %reduce_max3A_196 = tpu.scan <max>, %scan3A_193 masked %reduce_max3A_195 : vector<16xf32>, vector<16xi1> -> vector<16xf32>
    %reduce_max3A_197 = vector.extract %reduce_max3A_196[15] : f32 from vector<16xf32>
    %mul3A_198 = arith.constant 4 : i32
    %mul3A_199 = arith.muli %arg1, %mul3A_198 : i32
    %add3A = arith.constant 0 : i32
    %add3A_200 = arith.addi %mul3A_199, %add3A : i32
    %add3A_201 = arith.constant 10 : i32
    %add3A_202 = arith.addi %add3A_200, %add3A_201 : i32
    %mul3A_203 = arith.constant 84 : i32
    %mul3A_204 = arith.muli %add3A_202, %mul3A_203 : i32
    %add3A_205 = arith.constant 10 : i32
    %add3A_206 = arith.addi %mul3A_204, %add3A_205 : i32
    %get3A_207 = arith.constant 0 : index
    %get3A_208 = tpu.vector_load %arg17[%get3A_207] {strides = array<i32>} : memref<192xi32, #tpu.memory_space<vmem>>, vector<16xi32>,
    %add3A_209 = vector.broadcast %add3A_206 : i32 to vector<16xi32>
    %add3A_210 = arith.addi %get3A_208, %add3A_209 : vector<16xi32>
    %shift_right_logical3A = arith.constant 7 : i32
    %shift_right_logical3A_211 = vector.broadcast %shift_right_logical3A : i32 to vector<16xi32>
    %shift_right_logical3A_212 = arith.shrui %add3A_210, %shift_right_logical3A_211 : vector<16xi32>
    %and3A = arith.constant 127 : i32
    %and3A_213 = vector.broadcast %and3A : i32 to vector<16xi32>
    %and3A_214 = arith.andi %add3A_210, %and3A_213 : vector<16xi32>
    %gather3A_215 = tpu.vector_load_idx %arg14[%shift_right_logical3A_212, %and3A_214] : memref<168x128xf32, #tpu.memory_space<vmem>>[vector<16xi32>, vector<16xi32>], vector<16xf32>,
    %div3A = vector.broadcast %reduce_max3A_197 : f32 to vector<16xf32>
    %div3A_216 = arith.divf %gather3A_215, %div3A : vector<16xf32>
    %swap3A_217 = arith.constant 0 : index
    %swap3A_218 = tpu.vector_load %arg19[%swap3A_217] {strides = array<i32>} : memref<192xf32, #tpu.memory_space<vmem>>, vector<16xf32>,
    tpu.vector_store %arg19[%swap3A_217], %div3A_216 {strides = array<i32>} : memref<192xf32, #tpu.memory_space<vmem>>, vector<16xf32>,
    %get3A_219 = arith.constant 16 : index
    %get3A_220 = tpu.vector_load %arg17[%get3A_219] {strides = array<i32>} : memref<192xi32, #tpu.memory_space<vmem>>, vector<16xi32>,
    %add3A_221 = vector.broadcast %add3A_206 : i32 to vector<16xi32>
    %add3A_222 = arith.addi %get3A_220, %add3A_221 : vector<16xi32>
    %shift_right_logical3A_223 = arith.constant 7 : i32
    %shift_right_logical3A_224 = vector.broadcast %shift_right_logical3A_223 : i32 to vector<16xi32>
    %shift_right_logical3A_225 = arith.shrui %add3A_222, %shift_right_logical3A_224 : vector<16xi32>
    %and3A_226 = arith.constant 127 : i32
    %and3A_227 = vector.broadcast %and3A_226 : i32 to vector<16xi32>
    %and3A_228 = arith.andi %add3A_222, %and3A_227 : vector<16xi32>
    %gather3A_229 = tpu.vector_load_idx %arg14[%shift_right_logical3A_225, %and3A_228] : memref<168x128xf32, #tpu.memory_space<vmem>>[vector<16xi32>, vector<16xi32>], vector<16xf32>,
    %div3A_230 = vector.broadcast %reduce_max3A_197 : f32 to vector<16xf32>
    %div3A_231 = arith.divf %gather3A_229, %div3A_230 : vector<16xf32>
    %swap3A_232 = arith.constant 16 : index
    %swap3A_233 = tpu.vector_load %arg19[%swap3A_232] {strides = array<i32>} : memref<192xf32, #tpu.memory_space<vmem>>, vector<16xf32>,
    tpu.vector_store %arg19[%swap3A_232], %div3A_231 {strides = array<i32>} : memref<192xf32, #tpu.memory_space<vmem>>, vector<16xf32>,
    %get3A_234 = arith.constant 32 : index
    %get3A_235 = tpu.vector_load %arg17[%get3A_234] {strides = array<i32>} : memref<192xi32, #tpu.memory_space<vmem>>, vector<16xi32>,
    %add3A_236 = vector.broadcast %add3A_206 : i32 to vector<16xi32>
    %add3A_237 = arith.addi %get3A_235, %add3A_236 : vector<16xi32>
    %shift_right_logical3A_238 = arith.constant 7 : i32
    %shift_right_logical3A_239 = vector.broadcast %shift_right_logical3A_238 : i32 to vector<16xi32>
    %shift_right_logical3A_240 = arith.shrui %add3A_237, %shift_right_logical3A_239 : vector<16xi32>
    %and3A_241 = arith.constant 127 : i32
    %and3A_242 = vector.broadcast %and3A_241 : i32 to vector<16xi32>
    %and3A_243 = arith.andi %add3A_237, %and3A_242 : vector<16xi32>
    %gather3A_244 = tpu.vector_load_idx %arg14[%shift_right_logical3A_240, %and3A_243] : memref<168x128xf32, #tpu.memory_space<vmem>>[vector<16xi32>, vector<16xi32>], vector<16xf32>,
    %div3A_245 = vector.broadcast %reduce_max3A_197 : f32 to vector<16xf32>
    %div3A_246 = arith.divf %gather3A_244, %div3A_245 : vector<16xf32>
    %swap3A_247 = arith.constant 32 : index
    %swap3A_248 = tpu.vector_load %arg19[%swap3A_247] {strides = array<i32>} : memref<192xf32, #tpu.memory_space<vmem>>, vector<16xf32>,
    tpu.vector_store %arg19[%swap3A_247], %div3A_246 {strides = array<i32>} : memref<192xf32, #tpu.memory_space<vmem>>, vector<16xf32>,
    %get3A_249 = arith.constant 48 : index
    %get3A_250 = tpu.vector_load %arg17[%get3A_249] {strides = array<i32>} : memref<192xi32, #tpu.memory_space<vmem>>, vector<16xi32>,
    %add3A_251 = vector.broadcast %add3A_206 : i32 to vector<16xi32>
    %add3A_252 = arith.addi %get3A_250, %add3A_251 : vector<16xi32>
    %shift_right_logical3A_253 = arith.constant 7 : i32
    %shift_right_logical3A_254 = vector.broadcast %shift_right_logical3A_253 : i32 to vector<16xi32>
    %shift_right_logical3A_255 = arith.shrui %add3A_252, %shift_right_logical3A_254 : vector<16xi32>
    %and3A_256 = arith.constant 127 : i32
    %and3A_257 = vector.broadcast %and3A_256 : i32 to vector<16xi32>
    %and3A_258 = arith.andi %add3A_252, %and3A_257 : vector<16xi32>
    %gather3A_259 = tpu.vector_load_idx %arg14[%shift_right_logical3A_255, %and3A_258] : memref<168x128xf32, #tpu.memory_space<vmem>>[vector<16xi32>, vector<16xi32>], vector<16xf32>,
    %div3A_260 = vector.broadcast %reduce_max3A_197 : f32 to vector<16xf32>
    %div3A_261 = arith.divf %gather3A_259, %div3A_260 : vector<16xf32>
    %swap3A_262 = arith.constant 48 : index
    %swap3A_263 = tpu.vector_load %arg19[%swap3A_262] {strides = array<i32>} : memref<192xf32, #tpu.memory_space<vmem>>, vector<16xf32>,
    tpu.vector_store %arg19[%swap3A_262], %div3A_261 {strides = array<i32>} : memref<192xf32, #tpu.memory_space<vmem>>, vector<16xf32>,
    %get3A_264 = arith.constant 64 : index
    %get3A_265 = tpu.vector_load %arg17[%get3A_264] {strides = array<i32>} : memref<192xi32, #tpu.memory_space<vmem>>, vector<16xi32>,
    %add3A_266 = vector.broadcast %add3A_206 : i32 to vector<16xi32>
    %add3A_267 = arith.addi %get3A_265, %add3A_266 : vector<16xi32>
    %shift_right_logical3A_268 = arith.constant 7 : i32
    %shift_right_logical3A_269 = vector.broadcast %shift_right_logical3A_268 : i32 to vector<16xi32>
    %shift_right_logical3A_270 = arith.shrui %add3A_267, %shift_right_logical3A_269 : vector<16xi32>
    %and3A_271 = arith.constant 127 : i32
    %and3A_272 = vector.broadcast %and3A_271 : i32 to vector<16xi32>
    %and3A_273 = arith.andi %add3A_267, %and3A_272 : vector<16xi32>
    %gather3A_274 = tpu.vector_load_idx %arg14[%shift_right_logical3A_270, %and3A_273] : memref<168x128xf32, #tpu.memory_space<vmem>>[vector<16xi32>, vector<16xi32>], vector<16xf32>,
    %div3A_275 = vector.broadcast %reduce_max3A_197 : f32 to vector<16xf32>
    %div3A_276 = arith.divf %gather3A_274, %div3A_275 : vector<16xf32>
    %swap3A_277 = arith.constant 64 : index
    %swap3A_278 = tpu.vector_load %arg19[%swap3A_277] {strides = array<i32>} : memref<192xf32, #tpu.memory_space<vmem>>, vector<16xf32>,
    tpu.vector_store %arg19[%swap3A_277], %div3A_276 {strides = array<i32>} : memref<192xf32, #tpu.memory_space<vmem>>, vector<16xf32>,
    %get3A_279 = arith.constant 80 : index
    %get3A_280 = tpu.vector_load %arg17[%get3A_279] {strides = array<i32>} : memref<192xi32, #tpu.memory_space<vmem>>, vector<16xi32>,
    %add3A_281 = vector.broadcast %add3A_206 : i32 to vector<16xi32>
    %add3A_282 = arith.addi %get3A_280, %add3A_281 : vector<16xi32>
    %shift_right_logical3A_283 = arith.constant 7 : i32
    %shift_right_logical3A_284 = vector.broadcast %shift_right_logical3A_283 : i32 to vector<16xi32>
    %shift_right_logical3A_285 = arith.shrui %add3A_282, %shift_right_logical3A_284 : vector<16xi32>
    %and3A_286 = arith.constant 127 : i32
    %and3A_287 = vector.broadcast %and3A_286 : i32 to vector<16xi32>
    %and3A_288 = arith.andi %add3A_282, %and3A_287 : vector<16xi32>
    %gather3A_289 = tpu.vector_load_idx %arg14[%shift_right_logical3A_285, %and3A_288] : memref<168x128xf32, #tpu.memory_space<vmem>>[vector<16xi32>, vector<16xi32>], vector<16xf32>,
    %div3A_290 = vector.broadcast %reduce_max3A_197 : f32 to vector<16xf32>
    %div3A_291 = arith.divf %gather3A_289, %div3A_290 : vector<16xf32>
    %swap3A_292 = arith.constant 80 : index
    %swap3A_293 = tpu.vector_load %arg19[%swap3A_292] {strides = array<i32>} : memref<192xf32, #tpu.memory_space<vmem>>, vector<16xf32>,
    tpu.vector_store %arg19[%swap3A_292], %div3A_291 {strides = array<i32>} : memref<192xf32, #tpu.memory_space<vmem>>, vector<16xf32>,
    %get3A_294 = arith.constant 96 : index
    %get3A_295 = tpu.vector_load %arg17[%get3A_294] {strides = array<i32>} : memref<192xi32, #tpu.memory_space<vmem>>, vector<16xi32>,
    %add3A_296 = vector.broadcast %add3A_206 : i32 to vector<16xi32>
    %add3A_297 = arith.addi %get3A_295, %add3A_296 : vector<16xi32>
    %shift_right_logical3A_298 = arith.constant 7 : i32
    %shift_right_logical3A_299 = vector.broadcast %shift_right_logical3A_298 : i32 to vector<16xi32>
    %shift_right_logical3A_300 = arith.shrui %add3A_297, %shift_right_logical3A_299 : vector<16xi32>
    %and3A_301 = arith.constant 127 : i32
    %and3A_302 = vector.broadcast %and3A_301 : i32 to vector<16xi32>
    %and3A_303 = arith.andi %add3A_297, %and3A_302 : vector<16xi32>
    %gather3A_304 = tpu.vector_load_idx %arg14[%shift_right_logical3A_300, %and3A_303] : memref<168x128xf32, #tpu.memory_space<vmem>>[vector<16xi32>, vector<16xi32>], vector<16xf32>,
    %div3A_305 = vector.broadcast %reduce_max3A_197 : f32 to vector<16xf32>
    %div3A_306 = arith.divf %gather3A_304, %div3A_305 : vector<16xf32>
    %swap3A_307 = arith.constant 96 : index
    %swap3A_308 = tpu.vector_load %arg19[%swap3A_307] {strides = array<i32>} : memref<192xf32, #tpu.memory_space<vmem>>, vector<16xf32>,
    tpu.vector_store %arg19[%swap3A_307], %div3A_306 {strides = array<i32>} : memref<192xf32, #tpu.memory_space<vmem>>, vector<16xf32>,
    %get3A_309 = arith.constant 112 : index
    %get3A_310 = tpu.vector_load %arg17[%get3A_309] {strides = array<i32>} : memref<192xi32, #tpu.memory_space<vmem>>, vector<16xi32>,
    %add3A_311 = vector.broadcast %add3A_206 : i32 to vector<16xi32>
    %add3A_312 = arith.addi %get3A_310, %add3A_311 : vector<16xi32>
    %shift_right_logical3A_313 = arith.constant 7 : i32
    %shift_right_logical3A_314 = vector.broadcast %shift_right_logical3A_313 : i32 to vector<16xi32>
    %shift_right_logical3A_315 = arith.shrui %add3A_312, %shift_right_logical3A_314 : vector<16xi32>
    %and3A_316 = arith.constant 127 : i32
    %and3A_317 = vector.broadcast %and3A_316 : i32 to vector<16xi32>
    %and3A_318 = arith.andi %add3A_312, %and3A_317 : vector<16xi32>
    %gather3A_319 = tpu.vector_load_idx %arg14[%shift_right_logical3A_315, %and3A_318] : memref<168x128xf32, #tpu.memory_space<vmem>>[vector<16xi32>, vector<16xi32>], vector<16xf32>,
    %div3A_320 = vector.broadcast %reduce_max3A_197 : f32 to vector<16xf32>
    %div3A_321 = arith.divf %gather3A_319, %div3A_320 : vector<16xf32>
    %swap3A_322 = arith.constant 112 : index
    %swap3A_323 = tpu.vector_load %arg19[%swap3A_322] {strides = array<i32>} : memref<192xf32, #tpu.memory_space<vmem>>, vector<16xf32>,
    tpu.vector_store %arg19[%swap3A_322], %div3A_321 {strides = array<i32>} : memref<192xf32, #tpu.memory_space<vmem>>, vector<16xf32>,
    %get3A_324 = arith.constant 128 : index
    %get3A_325 = tpu.vector_load %arg17[%get3A_324] {strides = array<i32>} : memref<192xi32, #tpu.memory_space<vmem>>, vector<16xi32>,
    %add3A_326 = vector.broadcast %add3A_206 : i32 to vector<16xi32>
    %add3A_327 = arith.addi %get3A_325, %add3A_326 : vector<16xi32>
    %shift_right_logical3A_328 = arith.constant 7 : i32
    %shift_right_logical3A_329 = vector.broadcast %shift_right_logical3A_328 : i32 to vector<16xi32>
    %shift_right_logical3A_330 = arith.shrui %add3A_327, %shift_right_logical3A_329 : vector<16xi32>
    %and3A_331 = arith.constant 127 : i32
    %and3A_332 = vector.broadcast %and3A_331 : i32 to vector<16xi32>
    %and3A_333 = arith.andi %add3A_327, %and3A_332 : vector<16xi32>
    %gather3A_334 = tpu.vector_load_idx %arg14[%shift_right_logical3A_330, %and3A_333] : memref<168x128xf32, #tpu.memory_space<vmem>>[vector<16xi32>, vector<16xi32>], vector<16xf32>,
    %div3A_335 = vector.broadcast %reduce_max3A_197 : f32 to vector<16xf32>
    %div3A_336 = arith.divf %gather3A_334, %div3A_335 : vector<16xf32>
    %swap3A_337 = arith.constant 128 : index
    %swap3A_338 = tpu.vector_load %arg19[%swap3A_337] {strides = array<i32>} : memref<192xf32, #tpu.memory_space<vmem>>, vector<16xf32>,
    tpu.vector_store %arg19[%swap3A_337], %div3A_336 {strides = array<i32>} : memref<192xf32, #tpu.memory_space<vmem>>, vector<16xf32>,
    %get3A_339 = arith.constant 144 : index
    %get3A_340 = tpu.vector_load %arg17[%get3A_339] {strides = array<i32>} : memref<192xi32, #tpu.memory_space<vmem>>, vector<16xi32>,
    %add3A_341 = vector.broadcast %add3A_206 : i32 to vector<16xi32>
    %add3A_342 = arith.addi %get3A_340, %add3A_341 : vector<16xi32>
    %shift_right_logical3A_343 = arith.constant 7 : i32
    %shift_right_logical3A_344 = vector.broadcast %shift_right_logical3A_343 : i32 to vector<16xi32>
    %shift_right_logical3A_345 = arith.shrui %add3A_342, %shift_right_logical3A_344 : vector<16xi32>
    %and3A_346 = arith.constant 127 : i32
    %and3A_347 = vector.broadcast %and3A_346 : i32 to vector<16xi32>
    %and3A_348 = arith.andi %add3A_342, %and3A_347 : vector<16xi32>
    %gather3A_349 = tpu.vector_load_idx %arg14[%shift_right_logical3A_345, %and3A_348] : memref<168x128xf32, #tpu.memory_space<vmem>>[vector<16xi32>, vector<16xi32>], vector<16xf32>,
    %div3A_350 = vector.broadcast %reduce_max3A_197 : f32 to vector<16xf32>
    %div3A_351 = arith.divf %gather3A_349, %div3A_350 : vector<16xf32>
    %swap3A_352 = arith.constant 144 : index
    %swap3A_353 = tpu.vector_load %arg19[%swap3A_352] {strides = array<i32>} : memref<192xf32, #tpu.memory_space<vmem>>, vector<16xf32>,
    tpu.vector_store %arg19[%swap3A_352], %div3A_351 {strides = array<i32>} : memref<192xf32, #tpu.memory_space<vmem>>, vector<16xf32>,
    %get3A_354 = arith.constant 160 : index
    %get3A_355 = tpu.vector_load %arg17[%get3A_354] {strides = array<i32>} : memref<192xi32, #tpu.memory_space<vmem>>, vector<16xi32>,
    %add3A_356 = vector.broadcast %add3A_206 : i32 to vector<16xi32>
    %add3A_357 = arith.addi %get3A_355, %add3A_356 : vector<16xi32>
    %shift_right_logical3A_358 = arith.constant 7 : i32
    %shift_right_logical3A_359 = vector.broadcast %shift_right_logical3A_358 : i32 to vector<16xi32>
    %shift_right_logical3A_360 = arith.shrui %add3A_357, %shift_right_logical3A_359 : vector<16xi32>
    %and3A_361 = arith.constant 127 : i32
    %and3A_362 = vector.broadcast %and3A_361 : i32 to vector<16xi32>
    %and3A_363 = arith.andi %add3A_357, %and3A_362 : vector<16xi32>
    %gather3A_364 = tpu.vector_load_idx %arg14[%shift_right_logical3A_360, %and3A_363] : memref<168x128xf32, #tpu.memory_space<vmem>>[vector<16xi32>, vector<16xi32>], vector<16xf32>,
    %div3A_365 = vector.broadcast %reduce_max3A_197 : f32 to vector<16xf32>
    %div3A_366 = arith.divf %gather3A_364, %div3A_365 : vector<16xf32>
    %swap3A_367 = arith.constant 160 : index
    %swap3A_368 = tpu.vector_load %arg19[%swap3A_367] {strides = array<i32>} : memref<192xf32, #tpu.memory_space<vmem>>, vector<16xf32>,
    tpu.vector_store %arg19[%swap3A_367], %div3A_366 {strides = array<i32>} : memref<192xf32, #tpu.memory_space<vmem>>, vector<16xf32>,
    %get3A_369 = arith.constant 176 : index
    %get3A_370 = tpu.vector_load %arg17[%get3A_369] {strides = array<i32>} : memref<192xi32, #tpu.memory_space<vmem>>, vector<16xi32>,
    %add3A_371 = vector.broadcast %add3A_206 : i32 to vector<16xi32>
    %add3A_372 = arith.addi %get3A_370, %add3A_371 : vector<16xi32>
    %shift_right_logical3A_373 = arith.constant 7 : i32
    %shift_right_logical3A_374 = vector.broadcast %shift_right_logical3A_373 : i32 to vector<16xi32>
    %shift_right_logical3A_375 = arith.shrui %add3A_372, %shift_right_logical3A_374 : vector<16xi32>
    %and3A_376 = arith.constant 127 : i32
    %and3A_377 = vector.broadcast %and3A_376 : i32 to vector<16xi32>
    %and3A_378 = arith.andi %add3A_372, %and3A_377 : vector<16xi32>
    %gather3A_379 = tpu.vector_load_idx %arg14[%shift_right_logical3A_375, %and3A_378] : memref<168x128xf32, #tpu.memory_space<vmem>>[vector<16xi32>, vector<16xi32>], vector<16xf32>,
    %div3A_380 = vector.broadcast %reduce_max3A_197 : f32 to vector<16xf32>
    %div3A_381 = arith.divf %gather3A_379, %div3A_380 : vector<16xf32>
    %swap3A_382 = arith.constant 176 : index
    %swap3A_383 = tpu.vector_load %arg19[%swap3A_382] {strides = array<i32>} : memref<192xf32, #tpu.memory_space<vmem>>, vector<16xf32>,
    tpu.vector_store %arg19[%swap3A_382], %div3A_381 {strides = array<i32>} : memref<192xf32, #tpu.memory_space<vmem>>, vector<16xf32>,
    %mul3A_384 = arith.constant 192 : i32
    %mul3A_385 = arith.muli %add3A_200, %mul3A_384 : i32
    "tpu.region"() ({
      %run_scoped3A_962 = tpu.sem_alloc : memref<!tpu.dma_semaphore, #tpu.memory_space<semaphore_mem>>
      %dma_start3A = tpu.memref_slice %arg9[%mul3A_385] : memref<12288xf32, #tpu.memory_space<hbm>> -> memref<192xf32, #tpu.memory_space<hbm>>
      %dma_start3A_963 = tpu.memref_slice %arg9[%mul3A_385] : memref<12288xf32, #tpu.memory_space<hbm>> -> memref<192xf32, #tpu.memory_space<hbm>>
      tpu.enqueue_dma source(%arg19 : memref<192xf32, #tpu.memory_space<vmem>>) target(%dma_start3A_963 : memref<192xf32, #tpu.memory_space<hbm>>) target_semaphore(%run_scoped3A_962 : memref<!tpu.dma_semaphore, #tpu.memory_space<semaphore_mem>>)
      %dma_wait3A = tpu.memref_slice %arg9[%mul3A_385] : memref<12288xf32, #tpu.memory_space<hbm>> -> memref<192xf32, #tpu.memory_space<hbm>>
      %dma_wait3A_964 = tpu.memref_slice %arg9[%mul3A_385] : memref<12288xf32, #tpu.memory_space<hbm>> -> memref<192xf32, #tpu.memory_space<hbm>>
      tpu.wait_dma2 semaphore(%run_scoped3A_962 : memref<!tpu.dma_semaphore, #tpu.memory_space<semaphore_mem>>) src(%arg19 : memref<192xf32, #tpu.memory_space<vmem>>) dst(%dma_wait3A_964 : memref<192xf32, #tpu.memory_space<hbm>>)
      tpu.yield
    }) : () -> ()
    %mul3A_386 = arith.constant 4 : i32
    %mul3A_387 = arith.muli %arg1, %mul3A_386 : i32
    %add3A_388 = arith.constant 1 : i32
    %add3A_389 = arith.addi %mul3A_387, %add3A_388 : i32
    %add3A_390 = arith.constant 10 : i32
    %add3A_391 = arith.addi %add3A_389, %add3A_390 : i32
    %mul3A_392 = arith.constant 84 : i32
    %mul3A_393 = arith.muli %add3A_391, %mul3A_392 : i32
    %add3A_394 = arith.constant 10 : i32
    %add3A_395 = arith.addi %mul3A_393, %add3A_394 : i32
    %get3A_396 = arith.constant 0 : index
    %get3A_397 = tpu.vector_load %arg17[%get3A_396] {strides = array<i32>} : memref<192xi32, #tpu.memory_space<vmem>>, vector<16xi32>,
    %add3A_398 = vector.broadcast %add3A_395 : i32 to vector<16xi32>
    %add3A_399 = arith.addi %get3A_397, %add3A_398 : vector<16xi32>
    %shift_right_logical3A_400 = arith.constant 7 : i32
    %shift_right_logical3A_401 = vector.broadcast %shift_right_logical3A_400 : i32 to vector<16xi32>
    %shift_right_logical3A_402 = arith.shrui %add3A_399, %shift_right_logical3A_401 : vector<16xi32>
    %and3A_403 = arith.constant 127 : i32
    %and3A_404 = vector.broadcast %and3A_403 : i32 to vector<16xi32>
    %and3A_405 = arith.andi %add3A_399, %and3A_404 : vector<16xi32>
    %gather3A_406 = tpu.vector_load_idx %arg14[%shift_right_logical3A_402, %and3A_405] : memref<168x128xf32, #tpu.memory_space<vmem>>[vector<16xi32>, vector<16xi32>], vector<16xf32>,
    %div3A_407 = vector.broadcast %reduce_max3A_197 : f32 to vector<16xf32>
    %div3A_408 = arith.divf %gather3A_406, %div3A_407 : vector<16xf32>
    %swap3A_409 = arith.constant 0 : index
    %swap3A_410 = tpu.vector_load %arg19[%swap3A_409] {strides = array<i32>} : memref<192xf32, #tpu.memory_space<vmem>>, vector<16xf32>,
    tpu.vector_store %arg19[%swap3A_409], %div3A_408 {strides = array<i32>} : memref<192xf32, #tpu.memory_space<vmem>>, vector<16xf32>,
    %get3A_411 = arith.constant 16 : index
    %get3A_412 = tpu.vector_load %arg17[%get3A_411] {strides = array<i32>} : memref<192xi32, #tpu.memory_space<vmem>>, vector<16xi32>,
    %add3A_413 = vector.broadcast %add3A_395 : i32 to vector<16xi32>
    %add3A_414 = arith.addi %get3A_412, %add3A_413 : vector<16xi32>
    %shift_right_logical3A_415 = arith.constant 7 : i32
    %shift_right_logical3A_416 = vector.broadcast %shift_right_logical3A_415 : i32 to vector<16xi32>
    %shift_right_logical3A_417 = arith.shrui %add3A_414, %shift_right_logical3A_416 : vector<16xi32>
    %and3A_418 = arith.constant 127 : i32
    %and3A_419 = vector.broadcast %and3A_418 : i32 to vector<16xi32>
    %and3A_420 = arith.andi %add3A_414, %and3A_419 : vector<16xi32>
    %gather3A_421 = tpu.vector_load_idx %arg14[%shift_right_logical3A_417, %and3A_420] : memref<168x128xf32, #tpu.memory_space<vmem>>[vector<16xi32>, vector<16xi32>], vector<16xf32>,
    %div3A_422 = vector.broadcast %reduce_max3A_197 : f32 to vector<16xf32>
    %div3A_423 = arith.divf %gather3A_421, %div3A_422 : vector<16xf32>
    %swap3A_424 = arith.constant 16 : index
    %swap3A_425 = tpu.vector_load %arg19[%swap3A_424] {strides = array<i32>} : memref<192xf32, #tpu.memory_space<vmem>>, vector<16xf32>,
    tpu.vector_store %arg19[%swap3A_424], %div3A_423 {strides = array<i32>} : memref<192xf32, #tpu.memory_space<vmem>>, vector<16xf32>,
    %get3A_426 = arith.constant 32 : index
    %get3A_427 = tpu.vector_load %arg17[%get3A_426] {strides = array<i32>} : memref<192xi32, #tpu.memory_space<vmem>>, vector<16xi32>,
    %add3A_428 = vector.broadcast %add3A_395 : i32 to vector<16xi32>
    %add3A_429 = arith.addi %get3A_427, %add3A_428 : vector<16xi32>
    %shift_right_logical3A_430 = arith.constant 7 : i32
    %shift_right_logical3A_431 = vector.broadcast %shift_right_logical3A_430 : i32 to vector<16xi32>
    %shift_right_logical3A_432 = arith.shrui %add3A_429, %shift_right_logical3A_431 : vector<16xi32>
    %and3A_433 = arith.constant 127 : i32
    %and3A_434 = vector.broadcast %and3A_433 : i32 to vector<16xi32>
    %and3A_435 = arith.andi %add3A_429, %and3A_434 : vector<16xi32>
    %gather3A_436 = tpu.vector_load_idx %arg14[%shift_right_logical3A_432, %and3A_435] : memref<168x128xf32, #tpu.memory_space<vmem>>[vector<16xi32>, vector<16xi32>], vector<16xf32>,
    %div3A_437 = vector.broadcast %reduce_max3A_197 : f32 to vector<16xf32>
    %div3A_438 = arith.divf %gather3A_436, %div3A_437 : vector<16xf32>
    %swap3A_439 = arith.constant 32 : index
    %swap3A_440 = tpu.vector_load %arg19[%swap3A_439] {strides = array<i32>} : memref<192xf32, #tpu.memory_space<vmem>>, vector<16xf32>,
    tpu.vector_store %arg19[%swap3A_439], %div3A_438 {strides = array<i32>} : memref<192xf32, #tpu.memory_space<vmem>>, vector<16xf32>,
    %get3A_441 = arith.constant 48 : index
    %get3A_442 = tpu.vector_load %arg17[%get3A_441] {strides = array<i32>} : memref<192xi32, #tpu.memory_space<vmem>>, vector<16xi32>,
    %add3A_443 = vector.broadcast %add3A_395 : i32 to vector<16xi32>
    %add3A_444 = arith.addi %get3A_442, %add3A_443 : vector<16xi32>
    %shift_right_logical3A_445 = arith.constant 7 : i32
    %shift_right_logical3A_446 = vector.broadcast %shift_right_logical3A_445 : i32 to vector<16xi32>
    %shift_right_logical3A_447 = arith.shrui %add3A_444, %shift_right_logical3A_446 : vector<16xi32>
    %and3A_448 = arith.constant 127 : i32
    %and3A_449 = vector.broadcast %and3A_448 : i32 to vector<16xi32>
    %and3A_450 = arith.andi %add3A_444, %and3A_449 : vector<16xi32>
    %gather3A_451 = tpu.vector_load_idx %arg14[%shift_right_logical3A_447, %and3A_450] : memref<168x128xf32, #tpu.memory_space<vmem>>[vector<16xi32>, vector<16xi32>], vector<16xf32>,
    %div3A_452 = vector.broadcast %reduce_max3A_197 : f32 to vector<16xf32>
    %div3A_453 = arith.divf %gather3A_451, %div3A_452 : vector<16xf32>
    %swap3A_454 = arith.constant 48 : index
    %swap3A_455 = tpu.vector_load %arg19[%swap3A_454] {strides = array<i32>} : memref<192xf32, #tpu.memory_space<vmem>>, vector<16xf32>,
    tpu.vector_store %arg19[%swap3A_454], %div3A_453 {strides = array<i32>} : memref<192xf32, #tpu.memory_space<vmem>>, vector<16xf32>,
    %get3A_456 = arith.constant 64 : index
    %get3A_457 = tpu.vector_load %arg17[%get3A_456] {strides = array<i32>} : memref<192xi32, #tpu.memory_space<vmem>>, vector<16xi32>,
    %add3A_458 = vector.broadcast %add3A_395 : i32 to vector<16xi32>
    %add3A_459 = arith.addi %get3A_457, %add3A_458 : vector<16xi32>
    %shift_right_logical3A_460 = arith.constant 7 : i32
    %shift_right_logical3A_461 = vector.broadcast %shift_right_logical3A_460 : i32 to vector<16xi32>
    %shift_right_logical3A_462 = arith.shrui %add3A_459, %shift_right_logical3A_461 : vector<16xi32>
    %and3A_463 = arith.constant 127 : i32
    %and3A_464 = vector.broadcast %and3A_463 : i32 to vector<16xi32>
    %and3A_465 = arith.andi %add3A_459, %and3A_464 : vector<16xi32>
    %gather3A_466 = tpu.vector_load_idx %arg14[%shift_right_logical3A_462, %and3A_465] : memref<168x128xf32, #tpu.memory_space<vmem>>[vector<16xi32>, vector<16xi32>], vector<16xf32>,
    %div3A_467 = vector.broadcast %reduce_max3A_197 : f32 to vector<16xf32>
    %div3A_468 = arith.divf %gather3A_466, %div3A_467 : vector<16xf32>
    %swap3A_469 = arith.constant 64 : index
    %swap3A_470 = tpu.vector_load %arg19[%swap3A_469] {strides = array<i32>} : memref<192xf32, #tpu.memory_space<vmem>>, vector<16xf32>,
    tpu.vector_store %arg19[%swap3A_469], %div3A_468 {strides = array<i32>} : memref<192xf32, #tpu.memory_space<vmem>>, vector<16xf32>,
    %get3A_471 = arith.constant 80 : index
    %get3A_472 = tpu.vector_load %arg17[%get3A_471] {strides = array<i32>} : memref<192xi32, #tpu.memory_space<vmem>>, vector<16xi32>,
    %add3A_473 = vector.broadcast %add3A_395 : i32 to vector<16xi32>
    %add3A_474 = arith.addi %get3A_472, %add3A_473 : vector<16xi32>
    %shift_right_logical3A_475 = arith.constant 7 : i32
    %shift_right_logical3A_476 = vector.broadcast %shift_right_logical3A_475 : i32 to vector<16xi32>
    %shift_right_logical3A_477 = arith.shrui %add3A_474, %shift_right_logical3A_476 : vector<16xi32>
    %and3A_478 = arith.constant 127 : i32
    %and3A_479 = vector.broadcast %and3A_478 : i32 to vector<16xi32>
    %and3A_480 = arith.andi %add3A_474, %and3A_479 : vector<16xi32>
    %gather3A_481 = tpu.vector_load_idx %arg14[%shift_right_logical3A_477, %and3A_480] : memref<168x128xf32, #tpu.memory_space<vmem>>[vector<16xi32>, vector<16xi32>], vector<16xf32>,
    %div3A_482 = vector.broadcast %reduce_max3A_197 : f32 to vector<16xf32>
    %div3A_483 = arith.divf %gather3A_481, %div3A_482 : vector<16xf32>
    %swap3A_484 = arith.constant 80 : index
    %swap3A_485 = tpu.vector_load %arg19[%swap3A_484] {strides = array<i32>} : memref<192xf32, #tpu.memory_space<vmem>>, vector<16xf32>,
    tpu.vector_store %arg19[%swap3A_484], %div3A_483 {strides = array<i32>} : memref<192xf32, #tpu.memory_space<vmem>>, vector<16xf32>,
    %get3A_486 = arith.constant 96 : index
    %get3A_487 = tpu.vector_load %arg17[%get3A_486] {strides = array<i32>} : memref<192xi32, #tpu.memory_space<vmem>>, vector<16xi32>,
    %add3A_488 = vector.broadcast %add3A_395 : i32 to vector<16xi32>
    %add3A_489 = arith.addi %get3A_487, %add3A_488 : vector<16xi32>
    %shift_right_logical3A_490 = arith.constant 7 : i32
    %shift_right_logical3A_491 = vector.broadcast %shift_right_logical3A_490 : i32 to vector<16xi32>
    %shift_right_logical3A_492 = arith.shrui %add3A_489, %shift_right_logical3A_491 : vector<16xi32>
    %and3A_493 = arith.constant 127 : i32
    %and3A_494 = vector.broadcast %and3A_493 : i32 to vector<16xi32>
    %and3A_495 = arith.andi %add3A_489, %and3A_494 : vector<16xi32>
    %gather3A_496 = tpu.vector_load_idx %arg14[%shift_right_logical3A_492, %and3A_495] : memref<168x128xf32, #tpu.memory_space<vmem>>[vector<16xi32>, vector<16xi32>], vector<16xf32>,
    %div3A_497 = vector.broadcast %reduce_max3A_197 : f32 to vector<16xf32>
    %div3A_498 = arith.divf %gather3A_496, %div3A_497 : vector<16xf32>
    %swap3A_499 = arith.constant 96 : index
    %swap3A_500 = tpu.vector_load %arg19[%swap3A_499] {strides = array<i32>} : memref<192xf32, #tpu.memory_space<vmem>>, vector<16xf32>,
    tpu.vector_store %arg19[%swap3A_499], %div3A_498 {strides = array<i32>} : memref<192xf32, #tpu.memory_space<vmem>>, vector<16xf32>,
    %get3A_501 = arith.constant 112 : index
    %get3A_502 = tpu.vector_load %arg17[%get3A_501] {strides = array<i32>} : memref<192xi32, #tpu.memory_space<vmem>>, vector<16xi32>,
    %add3A_503 = vector.broadcast %add3A_395 : i32 to vector<16xi32>
    %add3A_504 = arith.addi %get3A_502, %add3A_503 : vector<16xi32>
    %shift_right_logical3A_505 = arith.constant 7 : i32
    %shift_right_logical3A_506 = vector.broadcast %shift_right_logical3A_505 : i32 to vector<16xi32>
    %shift_right_logical3A_507 = arith.shrui %add3A_504, %shift_right_logical3A_506 : vector<16xi32>
    %and3A_508 = arith.constant 127 : i32
    %and3A_509 = vector.broadcast %and3A_508 : i32 to vector<16xi32>
    %and3A_510 = arith.andi %add3A_504, %and3A_509 : vector<16xi32>
    %gather3A_511 = tpu.vector_load_idx %arg14[%shift_right_logical3A_507, %and3A_510] : memref<168x128xf32, #tpu.memory_space<vmem>>[vector<16xi32>, vector<16xi32>], vector<16xf32>,
    %div3A_512 = vector.broadcast %reduce_max3A_197 : f32 to vector<16xf32>
    %div3A_513 = arith.divf %gather3A_511, %div3A_512 : vector<16xf32>
    %swap3A_514 = arith.constant 112 : index
    %swap3A_515 = tpu.vector_load %arg19[%swap3A_514] {strides = array<i32>} : memref<192xf32, #tpu.memory_space<vmem>>, vector<16xf32>,
    tpu.vector_store %arg19[%swap3A_514], %div3A_513 {strides = array<i32>} : memref<192xf32, #tpu.memory_space<vmem>>, vector<16xf32>,
    %get3A_516 = arith.constant 128 : index
    %get3A_517 = tpu.vector_load %arg17[%get3A_516] {strides = array<i32>} : memref<192xi32, #tpu.memory_space<vmem>>, vector<16xi32>,
    %add3A_518 = vector.broadcast %add3A_395 : i32 to vector<16xi32>
    %add3A_519 = arith.addi %get3A_517, %add3A_518 : vector<16xi32>
    %shift_right_logical3A_520 = arith.constant 7 : i32
    %shift_right_logical3A_521 = vector.broadcast %shift_right_logical3A_520 : i32 to vector<16xi32>
    %shift_right_logical3A_522 = arith.shrui %add3A_519, %shift_right_logical3A_521 : vector<16xi32>
    %and3A_523 = arith.constant 127 : i32
    %and3A_524 = vector.broadcast %and3A_523 : i32 to vector<16xi32>
    %and3A_525 = arith.andi %add3A_519, %and3A_524 : vector<16xi32>
    %gather3A_526 = tpu.vector_load_idx %arg14[%shift_right_logical3A_522, %and3A_525] : memref<168x128xf32, #tpu.memory_space<vmem>>[vector<16xi32>, vector<16xi32>], vector<16xf32>,
    %div3A_527 = vector.broadcast %reduce_max3A_197 : f32 to vector<16xf32>
    %div3A_528 = arith.divf %gather3A_526, %div3A_527 : vector<16xf32>
    %swap3A_529 = arith.constant 128 : index
    %swap3A_530 = tpu.vector_load %arg19[%swap3A_529] {strides = array<i32>} : memref<192xf32, #tpu.memory_space<vmem>>, vector<16xf32>,
    tpu.vector_store %arg19[%swap3A_529], %div3A_528 {strides = array<i32>} : memref<192xf32, #tpu.memory_space<vmem>>, vector<16xf32>,
    %get3A_531 = arith.constant 144 : index
    %get3A_532 = tpu.vector_load %arg17[%get3A_531] {strides = array<i32>} : memref<192xi32, #tpu.memory_space<vmem>>, vector<16xi32>,
    %add3A_533 = vector.broadcast %add3A_395 : i32 to vector<16xi32>
    %add3A_534 = arith.addi %get3A_532, %add3A_533 : vector<16xi32>
    %shift_right_logical3A_535 = arith.constant 7 : i32
    %shift_right_logical3A_536 = vector.broadcast %shift_right_logical3A_535 : i32 to vector<16xi32>
    %shift_right_logical3A_537 = arith.shrui %add3A_534, %shift_right_logical3A_536 : vector<16xi32>
    %and3A_538 = arith.constant 127 : i32
    %and3A_539 = vector.broadcast %and3A_538 : i32 to vector<16xi32>
    %and3A_540 = arith.andi %add3A_534, %and3A_539 : vector<16xi32>
    %gather3A_541 = tpu.vector_load_idx %arg14[%shift_right_logical3A_537, %and3A_540] : memref<168x128xf32, #tpu.memory_space<vmem>>[vector<16xi32>, vector<16xi32>], vector<16xf32>,
    %div3A_542 = vector.broadcast %reduce_max3A_197 : f32 to vector<16xf32>
    %div3A_543 = arith.divf %gather3A_541, %div3A_542 : vector<16xf32>
    %swap3A_544 = arith.constant 144 : index
    %swap3A_545 = tpu.vector_load %arg19[%swap3A_544] {strides = array<i32>} : memref<192xf32, #tpu.memory_space<vmem>>, vector<16xf32>,
    tpu.vector_store %arg19[%swap3A_544], %div3A_543 {strides = array<i32>} : memref<192xf32, #tpu.memory_space<vmem>>, vector<16xf32>,
    %get3A_546 = arith.constant 160 : index
    %get3A_547 = tpu.vector_load %arg17[%get3A_546] {strides = array<i32>} : memref<192xi32, #tpu.memory_space<vmem>>, vector<16xi32>,
    %add3A_548 = vector.broadcast %add3A_395 : i32 to vector<16xi32>
    %add3A_549 = arith.addi %get3A_547, %add3A_548 : vector<16xi32>
    %shift_right_logical3A_550 = arith.constant 7 : i32
    %shift_right_logical3A_551 = vector.broadcast %shift_right_logical3A_550 : i32 to vector<16xi32>
    %shift_right_logical3A_552 = arith.shrui %add3A_549, %shift_right_logical3A_551 : vector<16xi32>
    %and3A_553 = arith.constant 127 : i32
    %and3A_554 = vector.broadcast %and3A_553 : i32 to vector<16xi32>
    %and3A_555 = arith.andi %add3A_549, %and3A_554 : vector<16xi32>
    %gather3A_556 = tpu.vector_load_idx %arg14[%shift_right_logical3A_552, %and3A_555] : memref<168x128xf32, #tpu.memory_space<vmem>>[vector<16xi32>, vector<16xi32>], vector<16xf32>,
    %div3A_557 = vector.broadcast %reduce_max3A_197 : f32 to vector<16xf32>
    %div3A_558 = arith.divf %gather3A_556, %div3A_557 : vector<16xf32>
    %swap3A_559 = arith.constant 160 : index
    %swap3A_560 = tpu.vector_load %arg19[%swap3A_559] {strides = array<i32>} : memref<192xf32, #tpu.memory_space<vmem>>, vector<16xf32>,
    tpu.vector_store %arg19[%swap3A_559], %div3A_558 {strides = array<i32>} : memref<192xf32, #tpu.memory_space<vmem>>, vector<16xf32>,
    %get3A_561 = arith.constant 176 : index
    %get3A_562 = tpu.vector_load %arg17[%get3A_561] {strides = array<i32>} : memref<192xi32, #tpu.memory_space<vmem>>, vector<16xi32>,
    %add3A_563 = vector.broadcast %add3A_395 : i32 to vector<16xi32>
    %add3A_564 = arith.addi %get3A_562, %add3A_563 : vector<16xi32>
    %shift_right_logical3A_565 = arith.constant 7 : i32
    %shift_right_logical3A_566 = vector.broadcast %shift_right_logical3A_565 : i32 to vector<16xi32>
    %shift_right_logical3A_567 = arith.shrui %add3A_564, %shift_right_logical3A_566 : vector<16xi32>
    %and3A_568 = arith.constant 127 : i32
    %and3A_569 = vector.broadcast %and3A_568 : i32 to vector<16xi32>
    %and3A_570 = arith.andi %add3A_564, %and3A_569 : vector<16xi32>
    %gather3A_571 = tpu.vector_load_idx %arg14[%shift_right_logical3A_567, %and3A_570] : memref<168x128xf32, #tpu.memory_space<vmem>>[vector<16xi32>, vector<16xi32>], vector<16xf32>,
    %div3A_572 = vector.broadcast %reduce_max3A_197 : f32 to vector<16xf32>
    %div3A_573 = arith.divf %gather3A_571, %div3A_572 : vector<16xf32>
    %swap3A_574 = arith.constant 176 : index
    %swap3A_575 = tpu.vector_load %arg19[%swap3A_574] {strides = array<i32>} : memref<192xf32, #tpu.memory_space<vmem>>, vector<16xf32>,
    tpu.vector_store %arg19[%swap3A_574], %div3A_573 {strides = array<i32>} : memref<192xf32, #tpu.memory_space<vmem>>, vector<16xf32>,
    %mul3A_576 = arith.constant 192 : i32
    %mul3A_577 = arith.muli %add3A_389, %mul3A_576 : i32
    "tpu.region"() ({
      %run_scoped3A_962 = tpu.sem_alloc : memref<!tpu.dma_semaphore, #tpu.memory_space<semaphore_mem>>
      %dma_start3A = tpu.memref_slice %arg9[%mul3A_577] : memref<12288xf32, #tpu.memory_space<hbm>> -> memref<192xf32, #tpu.memory_space<hbm>>
      %dma_start3A_963 = tpu.memref_slice %arg9[%mul3A_577] : memref<12288xf32, #tpu.memory_space<hbm>> -> memref<192xf32, #tpu.memory_space<hbm>>
      tpu.enqueue_dma source(%arg19 : memref<192xf32, #tpu.memory_space<vmem>>) target(%dma_start3A_963 : memref<192xf32, #tpu.memory_space<hbm>>) target_semaphore(%run_scoped3A_962 : memref<!tpu.dma_semaphore, #tpu.memory_space<semaphore_mem>>)
      %dma_wait3A = tpu.memref_slice %arg9[%mul3A_577] : memref<12288xf32, #tpu.memory_space<hbm>> -> memref<192xf32, #tpu.memory_space<hbm>>
      %dma_wait3A_964 = tpu.memref_slice %arg9[%mul3A_577] : memref<12288xf32, #tpu.memory_space<hbm>> -> memref<192xf32, #tpu.memory_space<hbm>>
      tpu.wait_dma2 semaphore(%run_scoped3A_962 : memref<!tpu.dma_semaphore, #tpu.memory_space<semaphore_mem>>) src(%arg19 : memref<192xf32, #tpu.memory_space<vmem>>) dst(%dma_wait3A_964 : memref<192xf32, #tpu.memory_space<hbm>>)
      tpu.yield
    }) : () -> ()
    %mul3A_578 = arith.constant 4 : i32
    %mul3A_579 = arith.muli %arg1, %mul3A_578 : i32
    %add3A_580 = arith.constant 2 : i32
    %add3A_581 = arith.addi %mul3A_579, %add3A_580 : i32
    %add3A_582 = arith.constant 10 : i32
    %add3A_583 = arith.addi %add3A_581, %add3A_582 : i32
    %mul3A_584 = arith.constant 84 : i32
    %mul3A_585 = arith.muli %add3A_583, %mul3A_584 : i32
    %add3A_586 = arith.constant 10 : i32
    %add3A_587 = arith.addi %mul3A_585, %add3A_586 : i32
    %get3A_588 = arith.constant 0 : index
    %get3A_589 = tpu.vector_load %arg17[%get3A_588] {strides = array<i32>} : memref<192xi32, #tpu.memory_space<vmem>>, vector<16xi32>,
    %add3A_590 = vector.broadcast %add3A_587 : i32 to vector<16xi32>
    %add3A_591 = arith.addi %get3A_589, %add3A_590 : vector<16xi32>
    %shift_right_logical3A_592 = arith.constant 7 : i32
    %shift_right_logical3A_593 = vector.broadcast %shift_right_logical3A_592 : i32 to vector<16xi32>
    %shift_right_logical3A_594 = arith.shrui %add3A_591, %shift_right_logical3A_593 : vector<16xi32>
    %and3A_595 = arith.constant 127 : i32
    %and3A_596 = vector.broadcast %and3A_595 : i32 to vector<16xi32>
    %and3A_597 = arith.andi %add3A_591, %and3A_596 : vector<16xi32>
    %gather3A_598 = tpu.vector_load_idx %arg14[%shift_right_logical3A_594, %and3A_597] : memref<168x128xf32, #tpu.memory_space<vmem>>[vector<16xi32>, vector<16xi32>], vector<16xf32>,
    %div3A_599 = vector.broadcast %reduce_max3A_197 : f32 to vector<16xf32>
    %div3A_600 = arith.divf %gather3A_598, %div3A_599 : vector<16xf32>
    %swap3A_601 = arith.constant 0 : index
    %swap3A_602 = tpu.vector_load %arg19[%swap3A_601] {strides = array<i32>} : memref<192xf32, #tpu.memory_space<vmem>>, vector<16xf32>,
    tpu.vector_store %arg19[%swap3A_601], %div3A_600 {strides = array<i32>} : memref<192xf32, #tpu.memory_space<vmem>>, vector<16xf32>,
    %get3A_603 = arith.constant 16 : index
    %get3A_604 = tpu.vector_load %arg17[%get3A_603] {strides = array<i32>} : memref<192xi32, #tpu.memory_space<vmem>>, vector<16xi32>,
    %add3A_605 = vector.broadcast %add3A_587 : i32 to vector<16xi32>
    %add3A_606 = arith.addi %get3A_604, %add3A_605 : vector<16xi32>
    %shift_right_logical3A_607 = arith.constant 7 : i32
    %shift_right_logical3A_608 = vector.broadcast %shift_right_logical3A_607 : i32 to vector<16xi32>
    %shift_right_logical3A_609 = arith.shrui %add3A_606, %shift_right_logical3A_608 : vector<16xi32>
    %and3A_610 = arith.constant 127 : i32
    %and3A_611 = vector.broadcast %and3A_610 : i32 to vector<16xi32>
    %and3A_612 = arith.andi %add3A_606, %and3A_611 : vector<16xi32>
    %gather3A_613 = tpu.vector_load_idx %arg14[%shift_right_logical3A_609, %and3A_612] : memref<168x128xf32, #tpu.memory_space<vmem>>[vector<16xi32>, vector<16xi32>], vector<16xf32>,
    %div3A_614 = vector.broadcast %reduce_max3A_197 : f32 to vector<16xf32>
    %div3A_615 = arith.divf %gather3A_613, %div3A_614 : vector<16xf32>
    %swap3A_616 = arith.constant 16 : index
    %swap3A_617 = tpu.vector_load %arg19[%swap3A_616] {strides = array<i32>} : memref<192xf32, #tpu.memory_space<vmem>>, vector<16xf32>,
    tpu.vector_store %arg19[%swap3A_616], %div3A_615 {strides = array<i32>} : memref<192xf32, #tpu.memory_space<vmem>>, vector<16xf32>,
    %get3A_618 = arith.constant 32 : index
    %get3A_619 = tpu.vector_load %arg17[%get3A_618] {strides = array<i32>} : memref<192xi32, #tpu.memory_space<vmem>>, vector<16xi32>,
    %add3A_620 = vector.broadcast %add3A_587 : i32 to vector<16xi32>
    %add3A_621 = arith.addi %get3A_619, %add3A_620 : vector<16xi32>
    %shift_right_logical3A_622 = arith.constant 7 : i32
    %shift_right_logical3A_623 = vector.broadcast %shift_right_logical3A_622 : i32 to vector<16xi32>
    %shift_right_logical3A_624 = arith.shrui %add3A_621, %shift_right_logical3A_623 : vector<16xi32>
    %and3A_625 = arith.constant 127 : i32
    %and3A_626 = vector.broadcast %and3A_625 : i32 to vector<16xi32>
    %and3A_627 = arith.andi %add3A_621, %and3A_626 : vector<16xi32>
    %gather3A_628 = tpu.vector_load_idx %arg14[%shift_right_logical3A_624, %and3A_627] : memref<168x128xf32, #tpu.memory_space<vmem>>[vector<16xi32>, vector<16xi32>], vector<16xf32>,
    %div3A_629 = vector.broadcast %reduce_max3A_197 : f32 to vector<16xf32>
    %div3A_630 = arith.divf %gather3A_628, %div3A_629 : vector<16xf32>
    %swap3A_631 = arith.constant 32 : index
    %swap3A_632 = tpu.vector_load %arg19[%swap3A_631] {strides = array<i32>} : memref<192xf32, #tpu.memory_space<vmem>>, vector<16xf32>,
    tpu.vector_store %arg19[%swap3A_631], %div3A_630 {strides = array<i32>} : memref<192xf32, #tpu.memory_space<vmem>>, vector<16xf32>,
    %get3A_633 = arith.constant 48 : index
    %get3A_634 = tpu.vector_load %arg17[%get3A_633] {strides = array<i32>} : memref<192xi32, #tpu.memory_space<vmem>>, vector<16xi32>,
    %add3A_635 = vector.broadcast %add3A_587 : i32 to vector<16xi32>
    %add3A_636 = arith.addi %get3A_634, %add3A_635 : vector<16xi32>
    %shift_right_logical3A_637 = arith.constant 7 : i32
    %shift_right_logical3A_638 = vector.broadcast %shift_right_logical3A_637 : i32 to vector<16xi32>
    %shift_right_logical3A_639 = arith.shrui %add3A_636, %shift_right_logical3A_638 : vector<16xi32>
    %and3A_640 = arith.constant 127 : i32
    %and3A_641 = vector.broadcast %and3A_640 : i32 to vector<16xi32>
    %and3A_642 = arith.andi %add3A_636, %and3A_641 : vector<16xi32>
    %gather3A_643 = tpu.vector_load_idx %arg14[%shift_right_logical3A_639, %and3A_642] : memref<168x128xf32, #tpu.memory_space<vmem>>[vector<16xi32>, vector<16xi32>], vector<16xf32>,
    %div3A_644 = vector.broadcast %reduce_max3A_197 : f32 to vector<16xf32>
    %div3A_645 = arith.divf %gather3A_643, %div3A_644 : vector<16xf32>
    %swap3A_646 = arith.constant 48 : index
    %swap3A_647 = tpu.vector_load %arg19[%swap3A_646] {strides = array<i32>} : memref<192xf32, #tpu.memory_space<vmem>>, vector<16xf32>,
    tpu.vector_store %arg19[%swap3A_646], %div3A_645 {strides = array<i32>} : memref<192xf32, #tpu.memory_space<vmem>>, vector<16xf32>,
    %get3A_648 = arith.constant 64 : index
    %get3A_649 = tpu.vector_load %arg17[%get3A_648] {strides = array<i32>} : memref<192xi32, #tpu.memory_space<vmem>>, vector<16xi32>,
    %add3A_650 = vector.broadcast %add3A_587 : i32 to vector<16xi32>
    %add3A_651 = arith.addi %get3A_649, %add3A_650 : vector<16xi32>
    %shift_right_logical3A_652 = arith.constant 7 : i32
    %shift_right_logical3A_653 = vector.broadcast %shift_right_logical3A_652 : i32 to vector<16xi32>
    %shift_right_logical3A_654 = arith.shrui %add3A_651, %shift_right_logical3A_653 : vector<16xi32>
    %and3A_655 = arith.constant 127 : i32
    %and3A_656 = vector.broadcast %and3A_655 : i32 to vector<16xi32>
    %and3A_657 = arith.andi %add3A_651, %and3A_656 : vector<16xi32>
    %gather3A_658 = tpu.vector_load_idx %arg14[%shift_right_logical3A_654, %and3A_657] : memref<168x128xf32, #tpu.memory_space<vmem>>[vector<16xi32>, vector<16xi32>], vector<16xf32>,
    %div3A_659 = vector.broadcast %reduce_max3A_197 : f32 to vector<16xf32>
    %div3A_660 = arith.divf %gather3A_658, %div3A_659 : vector<16xf32>
    %swap3A_661 = arith.constant 64 : index
    %swap3A_662 = tpu.vector_load %arg19[%swap3A_661] {strides = array<i32>} : memref<192xf32, #tpu.memory_space<vmem>>, vector<16xf32>,
    tpu.vector_store %arg19[%swap3A_661], %div3A_660 {strides = array<i32>} : memref<192xf32, #tpu.memory_space<vmem>>, vector<16xf32>,
    %get3A_663 = arith.constant 80 : index
    %get3A_664 = tpu.vector_load %arg17[%get3A_663] {strides = array<i32>} : memref<192xi32, #tpu.memory_space<vmem>>, vector<16xi32>,
    %add3A_665 = vector.broadcast %add3A_587 : i32 to vector<16xi32>
    %add3A_666 = arith.addi %get3A_664, %add3A_665 : vector<16xi32>
    %shift_right_logical3A_667 = arith.constant 7 : i32
    %shift_right_logical3A_668 = vector.broadcast %shift_right_logical3A_667 : i32 to vector<16xi32>
    %shift_right_logical3A_669 = arith.shrui %add3A_666, %shift_right_logical3A_668 : vector<16xi32>
    %and3A_670 = arith.constant 127 : i32
    %and3A_671 = vector.broadcast %and3A_670 : i32 to vector<16xi32>
    %and3A_672 = arith.andi %add3A_666, %and3A_671 : vector<16xi32>
    %gather3A_673 = tpu.vector_load_idx %arg14[%shift_right_logical3A_669, %and3A_672] : memref<168x128xf32, #tpu.memory_space<vmem>>[vector<16xi32>, vector<16xi32>], vector<16xf32>,
    %div3A_674 = vector.broadcast %reduce_max3A_197 : f32 to vector<16xf32>
    %div3A_675 = arith.divf %gather3A_673, %div3A_674 : vector<16xf32>
    %swap3A_676 = arith.constant 80 : index
    %swap3A_677 = tpu.vector_load %arg19[%swap3A_676] {strides = array<i32>} : memref<192xf32, #tpu.memory_space<vmem>>, vector<16xf32>,
    tpu.vector_store %arg19[%swap3A_676], %div3A_675 {strides = array<i32>} : memref<192xf32, #tpu.memory_space<vmem>>, vector<16xf32>,
    %get3A_678 = arith.constant 96 : index
    %get3A_679 = tpu.vector_load %arg17[%get3A_678] {strides = array<i32>} : memref<192xi32, #tpu.memory_space<vmem>>, vector<16xi32>,
    %add3A_680 = vector.broadcast %add3A_587 : i32 to vector<16xi32>
    %add3A_681 = arith.addi %get3A_679, %add3A_680 : vector<16xi32>
    %shift_right_logical3A_682 = arith.constant 7 : i32
    %shift_right_logical3A_683 = vector.broadcast %shift_right_logical3A_682 : i32 to vector<16xi32>
    %shift_right_logical3A_684 = arith.shrui %add3A_681, %shift_right_logical3A_683 : vector<16xi32>
    %and3A_685 = arith.constant 127 : i32
    %and3A_686 = vector.broadcast %and3A_685 : i32 to vector<16xi32>
    %and3A_687 = arith.andi %add3A_681, %and3A_686 : vector<16xi32>
    %gather3A_688 = tpu.vector_load_idx %arg14[%shift_right_logical3A_684, %and3A_687] : memref<168x128xf32, #tpu.memory_space<vmem>>[vector<16xi32>, vector<16xi32>], vector<16xf32>,
    %div3A_689 = vector.broadcast %reduce_max3A_197 : f32 to vector<16xf32>
    %div3A_690 = arith.divf %gather3A_688, %div3A_689 : vector<16xf32>
    %swap3A_691 = arith.constant 96 : index
    %swap3A_692 = tpu.vector_load %arg19[%swap3A_691] {strides = array<i32>} : memref<192xf32, #tpu.memory_space<vmem>>, vector<16xf32>,
    tpu.vector_store %arg19[%swap3A_691], %div3A_690 {strides = array<i32>} : memref<192xf32, #tpu.memory_space<vmem>>, vector<16xf32>,
    %get3A_693 = arith.constant 112 : index
    %get3A_694 = tpu.vector_load %arg17[%get3A_693] {strides = array<i32>} : memref<192xi32, #tpu.memory_space<vmem>>, vector<16xi32>,
    %add3A_695 = vector.broadcast %add3A_587 : i32 to vector<16xi32>
    %add3A_696 = arith.addi %get3A_694, %add3A_695 : vector<16xi32>
    %shift_right_logical3A_697 = arith.constant 7 : i32
    %shift_right_logical3A_698 = vector.broadcast %shift_right_logical3A_697 : i32 to vector<16xi32>
    %shift_right_logical3A_699 = arith.shrui %add3A_696, %shift_right_logical3A_698 : vector<16xi32>
    %and3A_700 = arith.constant 127 : i32
    %and3A_701 = vector.broadcast %and3A_700 : i32 to vector<16xi32>
    %and3A_702 = arith.andi %add3A_696, %and3A_701 : vector<16xi32>
    %gather3A_703 = tpu.vector_load_idx %arg14[%shift_right_logical3A_699, %and3A_702] : memref<168x128xf32, #tpu.memory_space<vmem>>[vector<16xi32>, vector<16xi32>], vector<16xf32>,
    %div3A_704 = vector.broadcast %reduce_max3A_197 : f32 to vector<16xf32>
    %div3A_705 = arith.divf %gather3A_703, %div3A_704 : vector<16xf32>
    %swap3A_706 = arith.constant 112 : index
    %swap3A_707 = tpu.vector_load %arg19[%swap3A_706] {strides = array<i32>} : memref<192xf32, #tpu.memory_space<vmem>>, vector<16xf32>,
    tpu.vector_store %arg19[%swap3A_706], %div3A_705 {strides = array<i32>} : memref<192xf32, #tpu.memory_space<vmem>>, vector<16xf32>,
    %get3A_708 = arith.constant 128 : index
    %get3A_709 = tpu.vector_load %arg17[%get3A_708] {strides = array<i32>} : memref<192xi32, #tpu.memory_space<vmem>>, vector<16xi32>,
    %add3A_710 = vector.broadcast %add3A_587 : i32 to vector<16xi32>
    %add3A_711 = arith.addi %get3A_709, %add3A_710 : vector<16xi32>
    %shift_right_logical3A_712 = arith.constant 7 : i32
    %shift_right_logical3A_713 = vector.broadcast %shift_right_logical3A_712 : i32 to vector<16xi32>
    %shift_right_logical3A_714 = arith.shrui %add3A_711, %shift_right_logical3A_713 : vector<16xi32>
    %and3A_715 = arith.constant 127 : i32
    %and3A_716 = vector.broadcast %and3A_715 : i32 to vector<16xi32>
    %and3A_717 = arith.andi %add3A_711, %and3A_716 : vector<16xi32>
    %gather3A_718 = tpu.vector_load_idx %arg14[%shift_right_logical3A_714, %and3A_717] : memref<168x128xf32, #tpu.memory_space<vmem>>[vector<16xi32>, vector<16xi32>], vector<16xf32>,
    %div3A_719 = vector.broadcast %reduce_max3A_197 : f32 to vector<16xf32>
    %div3A_720 = arith.divf %gather3A_718, %div3A_719 : vector<16xf32>
    %swap3A_721 = arith.constant 128 : index
    %swap3A_722 = tpu.vector_load %arg19[%swap3A_721] {strides = array<i32>} : memref<192xf32, #tpu.memory_space<vmem>>, vector<16xf32>,
    tpu.vector_store %arg19[%swap3A_721], %div3A_720 {strides = array<i32>} : memref<192xf32, #tpu.memory_space<vmem>>, vector<16xf32>,
    %get3A_723 = arith.constant 144 : index
    %get3A_724 = tpu.vector_load %arg17[%get3A_723] {strides = array<i32>} : memref<192xi32, #tpu.memory_space<vmem>>, vector<16xi32>,
    %add3A_725 = vector.broadcast %add3A_587 : i32 to vector<16xi32>
    %add3A_726 = arith.addi %get3A_724, %add3A_725 : vector<16xi32>
    %shift_right_logical3A_727 = arith.constant 7 : i32
    %shift_right_logical3A_728 = vector.broadcast %shift_right_logical3A_727 : i32 to vector<16xi32>
    %shift_right_logical3A_729 = arith.shrui %add3A_726, %shift_right_logical3A_728 : vector<16xi32>
    %and3A_730 = arith.constant 127 : i32
    %and3A_731 = vector.broadcast %and3A_730 : i32 to vector<16xi32>
    %and3A_732 = arith.andi %add3A_726, %and3A_731 : vector<16xi32>
    %gather3A_733 = tpu.vector_load_idx %arg14[%shift_right_logical3A_729, %and3A_732] : memref<168x128xf32, #tpu.memory_space<vmem>>[vector<16xi32>, vector<16xi32>], vector<16xf32>,
    %div3A_734 = vector.broadcast %reduce_max3A_197 : f32 to vector<16xf32>
    %div3A_735 = arith.divf %gather3A_733, %div3A_734 : vector<16xf32>
    %swap3A_736 = arith.constant 144 : index
    %swap3A_737 = tpu.vector_load %arg19[%swap3A_736] {strides = array<i32>} : memref<192xf32, #tpu.memory_space<vmem>>, vector<16xf32>,
    tpu.vector_store %arg19[%swap3A_736], %div3A_735 {strides = array<i32>} : memref<192xf32, #tpu.memory_space<vmem>>, vector<16xf32>,
    %get3A_738 = arith.constant 160 : index
    %get3A_739 = tpu.vector_load %arg17[%get3A_738] {strides = array<i32>} : memref<192xi32, #tpu.memory_space<vmem>>, vector<16xi32>,
    %add3A_740 = vector.broadcast %add3A_587 : i32 to vector<16xi32>
    %add3A_741 = arith.addi %get3A_739, %add3A_740 : vector<16xi32>
    %shift_right_logical3A_742 = arith.constant 7 : i32
    %shift_right_logical3A_743 = vector.broadcast %shift_right_logical3A_742 : i32 to vector<16xi32>
    %shift_right_logical3A_744 = arith.shrui %add3A_741, %shift_right_logical3A_743 : vector<16xi32>
    %and3A_745 = arith.constant 127 : i32
    %and3A_746 = vector.broadcast %and3A_745 : i32 to vector<16xi32>
    %and3A_747 = arith.andi %add3A_741, %and3A_746 : vector<16xi32>
    %gather3A_748 = tpu.vector_load_idx %arg14[%shift_right_logical3A_744, %and3A_747] : memref<168x128xf32, #tpu.memory_space<vmem>>[vector<16xi32>, vector<16xi32>], vector<16xf32>,
    %div3A_749 = vector.broadcast %reduce_max3A_197 : f32 to vector<16xf32>
    %div3A_750 = arith.divf %gather3A_748, %div3A_749 : vector<16xf32>
    %swap3A_751 = arith.constant 160 : index
    %swap3A_752 = tpu.vector_load %arg19[%swap3A_751] {strides = array<i32>} : memref<192xf32, #tpu.memory_space<vmem>>, vector<16xf32>,
    tpu.vector_store %arg19[%swap3A_751], %div3A_750 {strides = array<i32>} : memref<192xf32, #tpu.memory_space<vmem>>, vector<16xf32>,
    %get3A_753 = arith.constant 176 : index
    %get3A_754 = tpu.vector_load %arg17[%get3A_753] {strides = array<i32>} : memref<192xi32, #tpu.memory_space<vmem>>, vector<16xi32>,
    %add3A_755 = vector.broadcast %add3A_587 : i32 to vector<16xi32>
    %add3A_756 = arith.addi %get3A_754, %add3A_755 : vector<16xi32>
    %shift_right_logical3A_757 = arith.constant 7 : i32
    %shift_right_logical3A_758 = vector.broadcast %shift_right_logical3A_757 : i32 to vector<16xi32>
    %shift_right_logical3A_759 = arith.shrui %add3A_756, %shift_right_logical3A_758 : vector<16xi32>
    %and3A_760 = arith.constant 127 : i32
    %and3A_761 = vector.broadcast %and3A_760 : i32 to vector<16xi32>
    %and3A_762 = arith.andi %add3A_756, %and3A_761 : vector<16xi32>
    %gather3A_763 = tpu.vector_load_idx %arg14[%shift_right_logical3A_759, %and3A_762] : memref<168x128xf32, #tpu.memory_space<vmem>>[vector<16xi32>, vector<16xi32>], vector<16xf32>,
    %div3A_764 = vector.broadcast %reduce_max3A_197 : f32 to vector<16xf32>
    %div3A_765 = arith.divf %gather3A_763, %div3A_764 : vector<16xf32>
    %swap3A_766 = arith.constant 176 : index
    %swap3A_767 = tpu.vector_load %arg19[%swap3A_766] {strides = array<i32>} : memref<192xf32, #tpu.memory_space<vmem>>, vector<16xf32>,
    tpu.vector_store %arg19[%swap3A_766], %div3A_765 {strides = array<i32>} : memref<192xf32, #tpu.memory_space<vmem>>, vector<16xf32>,
    %mul3A_768 = arith.constant 192 : i32
    %mul3A_769 = arith.muli %add3A_581, %mul3A_768 : i32
    "tpu.region"() ({
      %run_scoped3A_962 = tpu.sem_alloc : memref<!tpu.dma_semaphore, #tpu.memory_space<semaphore_mem>>
      %dma_start3A = tpu.memref_slice %arg9[%mul3A_769] : memref<12288xf32, #tpu.memory_space<hbm>> -> memref<192xf32, #tpu.memory_space<hbm>>
      %dma_start3A_963 = tpu.memref_slice %arg9[%mul3A_769] : memref<12288xf32, #tpu.memory_space<hbm>> -> memref<192xf32, #tpu.memory_space<hbm>>
      tpu.enqueue_dma source(%arg19 : memref<192xf32, #tpu.memory_space<vmem>>) target(%dma_start3A_963 : memref<192xf32, #tpu.memory_space<hbm>>) target_semaphore(%run_scoped3A_962 : memref<!tpu.dma_semaphore, #tpu.memory_space<semaphore_mem>>)
      %dma_wait3A = tpu.memref_slice %arg9[%mul3A_769] : memref<12288xf32, #tpu.memory_space<hbm>> -> memref<192xf32, #tpu.memory_space<hbm>>
      %dma_wait3A_964 = tpu.memref_slice %arg9[%mul3A_769] : memref<12288xf32, #tpu.memory_space<hbm>> -> memref<192xf32, #tpu.memory_space<hbm>>
      tpu.wait_dma2 semaphore(%run_scoped3A_962 : memref<!tpu.dma_semaphore, #tpu.memory_space<semaphore_mem>>) src(%arg19 : memref<192xf32, #tpu.memory_space<vmem>>) dst(%dma_wait3A_964 : memref<192xf32, #tpu.memory_space<hbm>>)
      tpu.yield
    }) : () -> ()
    %mul3A_770 = arith.constant 4 : i32
    %mul3A_771 = arith.muli %arg1, %mul3A_770 : i32
    %add3A_772 = arith.constant 3 : i32
    %add3A_773 = arith.addi %mul3A_771, %add3A_772 : i32
    %add3A_774 = arith.constant 10 : i32
    %add3A_775 = arith.addi %add3A_773, %add3A_774 : i32
    %mul3A_776 = arith.constant 84 : i32
    %mul3A_777 = arith.muli %add3A_775, %mul3A_776 : i32
    %add3A_778 = arith.constant 10 : i32
    %add3A_779 = arith.addi %mul3A_777, %add3A_778 : i32
    %get3A_780 = arith.constant 0 : index
    %get3A_781 = tpu.vector_load %arg17[%get3A_780] {strides = array<i32>} : memref<192xi32, #tpu.memory_space<vmem>>, vector<16xi32>,
    %add3A_782 = vector.broadcast %add3A_779 : i32 to vector<16xi32>
    %add3A_783 = arith.addi %get3A_781, %add3A_782 : vector<16xi32>
    %shift_right_logical3A_784 = arith.constant 7 : i32
    %shift_right_logical3A_785 = vector.broadcast %shift_right_logical3A_784 : i32 to vector<16xi32>
    %shift_right_logical3A_786 = arith.shrui %add3A_783, %shift_right_logical3A_785 : vector<16xi32>
    %and3A_787 = arith.constant 127 : i32
    %and3A_788 = vector.broadcast %and3A_787 : i32 to vector<16xi32>
    %and3A_789 = arith.andi %add3A_783, %and3A_788 : vector<16xi32>
    %gather3A_790 = tpu.vector_load_idx %arg14[%shift_right_logical3A_786, %and3A_789] : memref<168x128xf32, #tpu.memory_space<vmem>>[vector<16xi32>, vector<16xi32>], vector<16xf32>,
    %div3A_791 = vector.broadcast %reduce_max3A_197 : f32 to vector<16xf32>
    %div3A_792 = arith.divf %gather3A_790, %div3A_791 : vector<16xf32>
    %swap3A_793 = arith.constant 0 : index
    %swap3A_794 = tpu.vector_load %arg19[%swap3A_793] {strides = array<i32>} : memref<192xf32, #tpu.memory_space<vmem>>, vector<16xf32>,
    tpu.vector_store %arg19[%swap3A_793], %div3A_792 {strides = array<i32>} : memref<192xf32, #tpu.memory_space<vmem>>, vector<16xf32>,
    %get3A_795 = arith.constant 16 : index
    %get3A_796 = tpu.vector_load %arg17[%get3A_795] {strides = array<i32>} : memref<192xi32, #tpu.memory_space<vmem>>, vector<16xi32>,
    %add3A_797 = vector.broadcast %add3A_779 : i32 to vector<16xi32>
    %add3A_798 = arith.addi %get3A_796, %add3A_797 : vector<16xi32>
    %shift_right_logical3A_799 = arith.constant 7 : i32
    %shift_right_logical3A_800 = vector.broadcast %shift_right_logical3A_799 : i32 to vector<16xi32>
    %shift_right_logical3A_801 = arith.shrui %add3A_798, %shift_right_logical3A_800 : vector<16xi32>
    %and3A_802 = arith.constant 127 : i32
    %and3A_803 = vector.broadcast %and3A_802 : i32 to vector<16xi32>
    %and3A_804 = arith.andi %add3A_798, %and3A_803 : vector<16xi32>
    %gather3A_805 = tpu.vector_load_idx %arg14[%shift_right_logical3A_801, %and3A_804] : memref<168x128xf32, #tpu.memory_space<vmem>>[vector<16xi32>, vector<16xi32>], vector<16xf32>,
    %div3A_806 = vector.broadcast %reduce_max3A_197 : f32 to vector<16xf32>
    %div3A_807 = arith.divf %gather3A_805, %div3A_806 : vector<16xf32>
    %swap3A_808 = arith.constant 16 : index
    %swap3A_809 = tpu.vector_load %arg19[%swap3A_808] {strides = array<i32>} : memref<192xf32, #tpu.memory_space<vmem>>, vector<16xf32>,
    tpu.vector_store %arg19[%swap3A_808], %div3A_807 {strides = array<i32>} : memref<192xf32, #tpu.memory_space<vmem>>, vector<16xf32>,
    %get3A_810 = arith.constant 32 : index
    %get3A_811 = tpu.vector_load %arg17[%get3A_810] {strides = array<i32>} : memref<192xi32, #tpu.memory_space<vmem>>, vector<16xi32>,
    %add3A_812 = vector.broadcast %add3A_779 : i32 to vector<16xi32>
    %add3A_813 = arith.addi %get3A_811, %add3A_812 : vector<16xi32>
    %shift_right_logical3A_814 = arith.constant 7 : i32
    %shift_right_logical3A_815 = vector.broadcast %shift_right_logical3A_814 : i32 to vector<16xi32>
    %shift_right_logical3A_816 = arith.shrui %add3A_813, %shift_right_logical3A_815 : vector<16xi32>
    %and3A_817 = arith.constant 127 : i32
    %and3A_818 = vector.broadcast %and3A_817 : i32 to vector<16xi32>
    %and3A_819 = arith.andi %add3A_813, %and3A_818 : vector<16xi32>
    %gather3A_820 = tpu.vector_load_idx %arg14[%shift_right_logical3A_816, %and3A_819] : memref<168x128xf32, #tpu.memory_space<vmem>>[vector<16xi32>, vector<16xi32>], vector<16xf32>,
    %div3A_821 = vector.broadcast %reduce_max3A_197 : f32 to vector<16xf32>
    %div3A_822 = arith.divf %gather3A_820, %div3A_821 : vector<16xf32>
    %swap3A_823 = arith.constant 32 : index
    %swap3A_824 = tpu.vector_load %arg19[%swap3A_823] {strides = array<i32>} : memref<192xf32, #tpu.memory_space<vmem>>, vector<16xf32>,
    tpu.vector_store %arg19[%swap3A_823], %div3A_822 {strides = array<i32>} : memref<192xf32, #tpu.memory_space<vmem>>, vector<16xf32>,
    %get3A_825 = arith.constant 48 : index
    %get3A_826 = tpu.vector_load %arg17[%get3A_825] {strides = array<i32>} : memref<192xi32, #tpu.memory_space<vmem>>, vector<16xi32>,
    %add3A_827 = vector.broadcast %add3A_779 : i32 to vector<16xi32>
    %add3A_828 = arith.addi %get3A_826, %add3A_827 : vector<16xi32>
    %shift_right_logical3A_829 = arith.constant 7 : i32
    %shift_right_logical3A_830 = vector.broadcast %shift_right_logical3A_829 : i32 to vector<16xi32>
    %shift_right_logical3A_831 = arith.shrui %add3A_828, %shift_right_logical3A_830 : vector<16xi32>
    %and3A_832 = arith.constant 127 : i32
    %and3A_833 = vector.broadcast %and3A_832 : i32 to vector<16xi32>
    %and3A_834 = arith.andi %add3A_828, %and3A_833 : vector<16xi32>
    %gather3A_835 = tpu.vector_load_idx %arg14[%shift_right_logical3A_831, %and3A_834] : memref<168x128xf32, #tpu.memory_space<vmem>>[vector<16xi32>, vector<16xi32>], vector<16xf32>,
    %div3A_836 = vector.broadcast %reduce_max3A_197 : f32 to vector<16xf32>
    %div3A_837 = arith.divf %gather3A_835, %div3A_836 : vector<16xf32>
    %swap3A_838 = arith.constant 48 : index
    %swap3A_839 = tpu.vector_load %arg19[%swap3A_838] {strides = array<i32>} : memref<192xf32, #tpu.memory_space<vmem>>, vector<16xf32>,
    tpu.vector_store %arg19[%swap3A_838], %div3A_837 {strides = array<i32>} : memref<192xf32, #tpu.memory_space<vmem>>, vector<16xf32>,
    %get3A_840 = arith.constant 64 : index
    %get3A_841 = tpu.vector_load %arg17[%get3A_840] {strides = array<i32>} : memref<192xi32, #tpu.memory_space<vmem>>, vector<16xi32>,
    %add3A_842 = vector.broadcast %add3A_779 : i32 to vector<16xi32>
    %add3A_843 = arith.addi %get3A_841, %add3A_842 : vector<16xi32>
    %shift_right_logical3A_844 = arith.constant 7 : i32
    %shift_right_logical3A_845 = vector.broadcast %shift_right_logical3A_844 : i32 to vector<16xi32>
    %shift_right_logical3A_846 = arith.shrui %add3A_843, %shift_right_logical3A_845 : vector<16xi32>
    %and3A_847 = arith.constant 127 : i32
    %and3A_848 = vector.broadcast %and3A_847 : i32 to vector<16xi32>
    %and3A_849 = arith.andi %add3A_843, %and3A_848 : vector<16xi32>
    %gather3A_850 = tpu.vector_load_idx %arg14[%shift_right_logical3A_846, %and3A_849] : memref<168x128xf32, #tpu.memory_space<vmem>>[vector<16xi32>, vector<16xi32>], vector<16xf32>,
    %div3A_851 = vector.broadcast %reduce_max3A_197 : f32 to vector<16xf32>
    %div3A_852 = arith.divf %gather3A_850, %div3A_851 : vector<16xf32>
    %swap3A_853 = arith.constant 64 : index
    %swap3A_854 = tpu.vector_load %arg19[%swap3A_853] {strides = array<i32>} : memref<192xf32, #tpu.memory_space<vmem>>, vector<16xf32>,
    tpu.vector_store %arg19[%swap3A_853], %div3A_852 {strides = array<i32>} : memref<192xf32, #tpu.memory_space<vmem>>, vector<16xf32>,
    %get3A_855 = arith.constant 80 : index
    %get3A_856 = tpu.vector_load %arg17[%get3A_855] {strides = array<i32>} : memref<192xi32, #tpu.memory_space<vmem>>, vector<16xi32>,
    %add3A_857 = vector.broadcast %add3A_779 : i32 to vector<16xi32>
    %add3A_858 = arith.addi %get3A_856, %add3A_857 : vector<16xi32>
    %shift_right_logical3A_859 = arith.constant 7 : i32
    %shift_right_logical3A_860 = vector.broadcast %shift_right_logical3A_859 : i32 to vector<16xi32>
    %shift_right_logical3A_861 = arith.shrui %add3A_858, %shift_right_logical3A_860 : vector<16xi32>
    %and3A_862 = arith.constant 127 : i32
    %and3A_863 = vector.broadcast %and3A_862 : i32 to vector<16xi32>
    %and3A_864 = arith.andi %add3A_858, %and3A_863 : vector<16xi32>
    %gather3A_865 = tpu.vector_load_idx %arg14[%shift_right_logical3A_861, %and3A_864] : memref<168x128xf32, #tpu.memory_space<vmem>>[vector<16xi32>, vector<16xi32>], vector<16xf32>,
    %div3A_866 = vector.broadcast %reduce_max3A_197 : f32 to vector<16xf32>
    %div3A_867 = arith.divf %gather3A_865, %div3A_866 : vector<16xf32>
    %swap3A_868 = arith.constant 80 : index
    %swap3A_869 = tpu.vector_load %arg19[%swap3A_868] {strides = array<i32>} : memref<192xf32, #tpu.memory_space<vmem>>, vector<16xf32>,
    tpu.vector_store %arg19[%swap3A_868], %div3A_867 {strides = array<i32>} : memref<192xf32, #tpu.memory_space<vmem>>, vector<16xf32>,
    %get3A_870 = arith.constant 96 : index
    %get3A_871 = tpu.vector_load %arg17[%get3A_870] {strides = array<i32>} : memref<192xi32, #tpu.memory_space<vmem>>, vector<16xi32>,
    %add3A_872 = vector.broadcast %add3A_779 : i32 to vector<16xi32>
    %add3A_873 = arith.addi %get3A_871, %add3A_872 : vector<16xi32>
    %shift_right_logical3A_874 = arith.constant 7 : i32
    %shift_right_logical3A_875 = vector.broadcast %shift_right_logical3A_874 : i32 to vector<16xi32>
    %shift_right_logical3A_876 = arith.shrui %add3A_873, %shift_right_logical3A_875 : vector<16xi32>
    %and3A_877 = arith.constant 127 : i32
    %and3A_878 = vector.broadcast %and3A_877 : i32 to vector<16xi32>
    %and3A_879 = arith.andi %add3A_873, %and3A_878 : vector<16xi32>
    %gather3A_880 = tpu.vector_load_idx %arg14[%shift_right_logical3A_876, %and3A_879] : memref<168x128xf32, #tpu.memory_space<vmem>>[vector<16xi32>, vector<16xi32>], vector<16xf32>,
    %div3A_881 = vector.broadcast %reduce_max3A_197 : f32 to vector<16xf32>
    %div3A_882 = arith.divf %gather3A_880, %div3A_881 : vector<16xf32>
    %swap3A_883 = arith.constant 96 : index
    %swap3A_884 = tpu.vector_load %arg19[%swap3A_883] {strides = array<i32>} : memref<192xf32, #tpu.memory_space<vmem>>, vector<16xf32>,
    tpu.vector_store %arg19[%swap3A_883], %div3A_882 {strides = array<i32>} : memref<192xf32, #tpu.memory_space<vmem>>, vector<16xf32>,
    %get3A_885 = arith.constant 112 : index
    %get3A_886 = tpu.vector_load %arg17[%get3A_885] {strides = array<i32>} : memref<192xi32, #tpu.memory_space<vmem>>, vector<16xi32>,
    %add3A_887 = vector.broadcast %add3A_779 : i32 to vector<16xi32>
    %add3A_888 = arith.addi %get3A_886, %add3A_887 : vector<16xi32>
    %shift_right_logical3A_889 = arith.constant 7 : i32
    %shift_right_logical3A_890 = vector.broadcast %shift_right_logical3A_889 : i32 to vector<16xi32>
    %shift_right_logical3A_891 = arith.shrui %add3A_888, %shift_right_logical3A_890 : vector<16xi32>
    %and3A_892 = arith.constant 127 : i32
    %and3A_893 = vector.broadcast %and3A_892 : i32 to vector<16xi32>
    %and3A_894 = arith.andi %add3A_888, %and3A_893 : vector<16xi32>
    %gather3A_895 = tpu.vector_load_idx %arg14[%shift_right_logical3A_891, %and3A_894] : memref<168x128xf32, #tpu.memory_space<vmem>>[vector<16xi32>, vector<16xi32>], vector<16xf32>,
    %div3A_896 = vector.broadcast %reduce_max3A_197 : f32 to vector<16xf32>
    %div3A_897 = arith.divf %gather3A_895, %div3A_896 : vector<16xf32>
    %swap3A_898 = arith.constant 112 : index
    %swap3A_899 = tpu.vector_load %arg19[%swap3A_898] {strides = array<i32>} : memref<192xf32, #tpu.memory_space<vmem>>, vector<16xf32>,
    tpu.vector_store %arg19[%swap3A_898], %div3A_897 {strides = array<i32>} : memref<192xf32, #tpu.memory_space<vmem>>, vector<16xf32>,
    %get3A_900 = arith.constant 128 : index
    %get3A_901 = tpu.vector_load %arg17[%get3A_900] {strides = array<i32>} : memref<192xi32, #tpu.memory_space<vmem>>, vector<16xi32>,
    %add3A_902 = vector.broadcast %add3A_779 : i32 to vector<16xi32>
    %add3A_903 = arith.addi %get3A_901, %add3A_902 : vector<16xi32>
    %shift_right_logical3A_904 = arith.constant 7 : i32
    %shift_right_logical3A_905 = vector.broadcast %shift_right_logical3A_904 : i32 to vector<16xi32>
    %shift_right_logical3A_906 = arith.shrui %add3A_903, %shift_right_logical3A_905 : vector<16xi32>
    %and3A_907 = arith.constant 127 : i32
    %and3A_908 = vector.broadcast %and3A_907 : i32 to vector<16xi32>
    %and3A_909 = arith.andi %add3A_903, %and3A_908 : vector<16xi32>
    %gather3A_910 = tpu.vector_load_idx %arg14[%shift_right_logical3A_906, %and3A_909] : memref<168x128xf32, #tpu.memory_space<vmem>>[vector<16xi32>, vector<16xi32>], vector<16xf32>,
    %div3A_911 = vector.broadcast %reduce_max3A_197 : f32 to vector<16xf32>
    %div3A_912 = arith.divf %gather3A_910, %div3A_911 : vector<16xf32>
    %swap3A_913 = arith.constant 128 : index
    %swap3A_914 = tpu.vector_load %arg19[%swap3A_913] {strides = array<i32>} : memref<192xf32, #tpu.memory_space<vmem>>, vector<16xf32>,
    tpu.vector_store %arg19[%swap3A_913], %div3A_912 {strides = array<i32>} : memref<192xf32, #tpu.memory_space<vmem>>, vector<16xf32>,
    %get3A_915 = arith.constant 144 : index
    %get3A_916 = tpu.vector_load %arg17[%get3A_915] {strides = array<i32>} : memref<192xi32, #tpu.memory_space<vmem>>, vector<16xi32>,
    %add3A_917 = vector.broadcast %add3A_779 : i32 to vector<16xi32>
    %add3A_918 = arith.addi %get3A_916, %add3A_917 : vector<16xi32>
    %shift_right_logical3A_919 = arith.constant 7 : i32
    %shift_right_logical3A_920 = vector.broadcast %shift_right_logical3A_919 : i32 to vector<16xi32>
    %shift_right_logical3A_921 = arith.shrui %add3A_918, %shift_right_logical3A_920 : vector<16xi32>
    %and3A_922 = arith.constant 127 : i32
    %and3A_923 = vector.broadcast %and3A_922 : i32 to vector<16xi32>
    %and3A_924 = arith.andi %add3A_918, %and3A_923 : vector<16xi32>
    %gather3A_925 = tpu.vector_load_idx %arg14[%shift_right_logical3A_921, %and3A_924] : memref<168x128xf32, #tpu.memory_space<vmem>>[vector<16xi32>, vector<16xi32>], vector<16xf32>,
    %div3A_926 = vector.broadcast %reduce_max3A_197 : f32 to vector<16xf32>
    %div3A_927 = arith.divf %gather3A_925, %div3A_926 : vector<16xf32>
    %swap3A_928 = arith.constant 144 : index
    %swap3A_929 = tpu.vector_load %arg19[%swap3A_928] {strides = array<i32>} : memref<192xf32, #tpu.memory_space<vmem>>, vector<16xf32>,
    tpu.vector_store %arg19[%swap3A_928], %div3A_927 {strides = array<i32>} : memref<192xf32, #tpu.memory_space<vmem>>, vector<16xf32>,
    %get3A_930 = arith.constant 160 : index
    %get3A_931 = tpu.vector_load %arg17[%get3A_930] {strides = array<i32>} : memref<192xi32, #tpu.memory_space<vmem>>, vector<16xi32>,
    %add3A_932 = vector.broadcast %add3A_779 : i32 to vector<16xi32>
    %add3A_933 = arith.addi %get3A_931, %add3A_932 : vector<16xi32>
    %shift_right_logical3A_934 = arith.constant 7 : i32
    %shift_right_logical3A_935 = vector.broadcast %shift_right_logical3A_934 : i32 to vector<16xi32>
    %shift_right_logical3A_936 = arith.shrui %add3A_933, %shift_right_logical3A_935 : vector<16xi32>
    %and3A_937 = arith.constant 127 : i32
    %and3A_938 = vector.broadcast %and3A_937 : i32 to vector<16xi32>
    %and3A_939 = arith.andi %add3A_933, %and3A_938 : vector<16xi32>
    %gather3A_940 = tpu.vector_load_idx %arg14[%shift_right_logical3A_936, %and3A_939] : memref<168x128xf32, #tpu.memory_space<vmem>>[vector<16xi32>, vector<16xi32>], vector<16xf32>,
    %div3A_941 = vector.broadcast %reduce_max3A_197 : f32 to vector<16xf32>
    %div3A_942 = arith.divf %gather3A_940, %div3A_941 : vector<16xf32>
    %swap3A_943 = arith.constant 160 : index
    %swap3A_944 = tpu.vector_load %arg19[%swap3A_943] {strides = array<i32>} : memref<192xf32, #tpu.memory_space<vmem>>, vector<16xf32>,
    tpu.vector_store %arg19[%swap3A_943], %div3A_942 {strides = array<i32>} : memref<192xf32, #tpu.memory_space<vmem>>, vector<16xf32>,
    %get3A_945 = arith.constant 176 : index
    %get3A_946 = tpu.vector_load %arg17[%get3A_945] {strides = array<i32>} : memref<192xi32, #tpu.memory_space<vmem>>, vector<16xi32>,
    %add3A_947 = vector.broadcast %add3A_779 : i32 to vector<16xi32>
    %add3A_948 = arith.addi %get3A_946, %add3A_947 : vector<16xi32>
    %shift_right_logical3A_949 = arith.constant 7 : i32
    %shift_right_logical3A_950 = vector.broadcast %shift_right_logical3A_949 : i32 to vector<16xi32>
    %shift_right_logical3A_951 = arith.shrui %add3A_948, %shift_right_logical3A_950 : vector<16xi32>
    %and3A_952 = arith.constant 127 : i32
    %and3A_953 = vector.broadcast %and3A_952 : i32 to vector<16xi32>
    %and3A_954 = arith.andi %add3A_948, %and3A_953 : vector<16xi32>
    %gather3A_955 = tpu.vector_load_idx %arg14[%shift_right_logical3A_951, %and3A_954] : memref<168x128xf32, #tpu.memory_space<vmem>>[vector<16xi32>, vector<16xi32>], vector<16xf32>,
    %div3A_956 = vector.broadcast %reduce_max3A_197 : f32 to vector<16xf32>
    %div3A_957 = arith.divf %gather3A_955, %div3A_956 : vector<16xf32>
    %swap3A_958 = arith.constant 176 : index
    %swap3A_959 = tpu.vector_load %arg19[%swap3A_958] {strides = array<i32>} : memref<192xf32, #tpu.memory_space<vmem>>, vector<16xf32>,
    tpu.vector_store %arg19[%swap3A_958], %div3A_957 {strides = array<i32>} : memref<192xf32, #tpu.memory_space<vmem>>, vector<16xf32>,
    %mul3A_960 = arith.constant 192 : i32
    %mul3A_961 = arith.muli %add3A_773, %mul3A_960 : i32
    "tpu.region"() ({
      %run_scoped3A_962 = tpu.sem_alloc : memref<!tpu.dma_semaphore, #tpu.memory_space<semaphore_mem>>
      %dma_start3A = tpu.memref_slice %arg9[%mul3A_961] : memref<12288xf32, #tpu.memory_space<hbm>> -> memref<192xf32, #tpu.memory_space<hbm>>
      %dma_start3A_963 = tpu.memref_slice %arg9[%mul3A_961] : memref<12288xf32, #tpu.memory_space<hbm>> -> memref<192xf32, #tpu.memory_space<hbm>>
      tpu.enqueue_dma source(%arg19 : memref<192xf32, #tpu.memory_space<vmem>>) target(%dma_start3A_963 : memref<192xf32, #tpu.memory_space<hbm>>) target_semaphore(%run_scoped3A_962 : memref<!tpu.dma_semaphore, #tpu.memory_space<semaphore_mem>>)
      %dma_wait3A = tpu.memref_slice %arg9[%mul3A_961] : memref<12288xf32, #tpu.memory_space<hbm>> -> memref<192xf32, #tpu.memory_space<hbm>>
      %dma_wait3A_964 = tpu.memref_slice %arg9[%mul3A_961] : memref<12288xf32, #tpu.memory_space<hbm>> -> memref<192xf32, #tpu.memory_space<hbm>>
      tpu.wait_dma2 semaphore(%run_scoped3A_962 : memref<!tpu.dma_semaphore, #tpu.memory_space<semaphore_mem>>) src(%arg19 : memref<192xf32, #tpu.memory_space<vmem>>) dst(%dma_wait3A_964 : memref<192xf32, #tpu.memory_space<hbm>>)
      tpu.yield
    }) : () -> ()
    return
  }
}

</mosaic_0001>

<sc_bundles>
// kernel: kernel.3.cloned.1.call-start
scs
__scs_entry_jumppad:
0x0: {  	(pc) =	sbr.rel $0x88, $3  }
0x1: {  	(tag) =	ssettag $0x0;
	lr =	simm.s32 $0x1  }
0x2: {  	[smem:$0x3F9D] =	sst lr;
	_ =	strace $0xD0000000  }
0x3: {  	_ = 	snop  }
0x4: {  	_ = 	snop  }
0x5: {  	_ = 	snop  }
0x6: {  	_ = 	snop  }
0x7: {  	_ = 	snop  }
__scs_overlays_trampoline_lowered:
0x8: {  	[smem:$0x3FAC] =	sst s0  }
0x9: {  	[smem:$0x3FAD] =	sst s1  }
0xa: {  	[smem:$0x3FAE] =	sst s2  }
0xb: {  	[smem:$0x3FAF] =	sst s3  }
0xc: {  	[smem:$0x3FB0] =	sst s4  }
0xd: {  	[smem:$0x3FB1] =	sst s5  }
0xe: {  	[smem:$0x3FB2] =	sst s6  }
0xf: {  	[smem:$0x3FB3] =	sst s7  }
0x10: {  	[smem:$0x3FB4] =	sst s8  }
0x11: {  	[smem:$0x3FB5] =	sst s9;
	s0 =	simm.s32 @!p0 $0x0  }
0x12: {  	s1 =	sld [smem:$0x3F9B];
	s0 =	simm.s32 @p0 $0x1  }
0x13: {  	[smem:$0x3FB6] =	sst s0;
	s0 =	simm.s32 @!p1 $0x0  }
0x14: {  	s2 =	sld [smem:$0x3F9A];
	s0 =	simm.s32 @p1 $0x1  }
0x15: {  	[smem:$0x3FB7] =	sst s0;
	s0 =	simm.s32 @!p2 $0x0  }
0x16: {  	s3 =	sld [smem:$0x3FDB];
	s0 =	simm.s32 @p2 $0x1  }
0x17: {  	s4 =	simm.s32 $0x1BF5;
	[smem:$0x3FB9] =	sst s0  }
0x18: {  	s0 =	sld [smem:$0x3F9C];
	_ =	swait.ge [sflag:s4], $0x0  }
0x19: {  	s7 =	sld [smem:$0x3F9D]  }
0x1a: {  	s8 =	sadd.s32 $0xFFFFE003, lr  }
0x1b: {  	s9 =	sadd.s32 $0xFFFFFEF7, lr;
	s5 =	simm.s32 $0xFFFFFFFF;
	p2 =	slt.u32 s8, $0xFFFFF086  }
0x1c: {  	p1 =	slt.u32 s9, $0xF7A;
	s5 =	simm.s32 @!p2 $0x0  }
0x1d: {  	s5 =	simm.s32 @p1 $0x1;
	p0 =	seq.s32 s7, s2  }
0x1e: {  	s7 =	smul.u32 @!p0 $0xF7A, s2;
	p2 =	seq.s32 @!p0 s5, $0x0  }
0x1f: {  	s9 =	smul.u32 $0xF7A, s1;
	s8 =	simm.s32 @!p0 $0x1BF5;
	p2 =	por !p2, p0  }
0x20: {  	[sflag:s8] =	ssyncset.s32 @!p0 $0xFFFFF086;
	s6 =	sadd.s32 @!p0 s3, s7;
	s7 =	simm.s32 @!p0 $0x108  }
0x21: {  	s3 =	sadd.s32 s3, s9;
	s6 =	sadd.s32 @!p0 $0x88, s6;
	s7 =	simm.s32 @p2 $0x1082  }
0x22: {  	[simem:s7], [sflag:s8] =	dma.local @!p0 [hbm:s6], $0xF7A  }
0x23: {  	s9 =	sor.u32 $0xD0000000, s2;
	s6 =	simm.s32 $0x108;
	_ =	swait.ge @!p0 [sflag:s8], $0x0  }
0x24: {  	s3 =	sadd.s32 $0x88, s3;
	s6 =	simm.s32 @!p1 $0x1082;
	[sflag:s4] =	ssyncset.s32 $0xFFFFF086  }
0x25: {  	[simem:s6], [sflag:s4] =	dma.local [hbm:s3], $0xF7A  }
0x26: {  	[smem:$0x3F9D] =	sst s1;
	(tag) =	ssettag s2;
	_ =	strace s9  }
0x27: {  	s1 =	sld [smem:$0x3FAD]  }
0x28: {  	s2 =	sld [smem:$0x3FAE]  }
0x29: {  	s4 =	sld [smem:$0x3FB0]  }
0x2a: {  	p0 =	seq.s32 s5, $0x0;
	s5 =	sld [smem:$0x3FB1]  }
0x2b: {  	s6 =	sld [smem:$0x3FB2]  }
0x2c: {  	s7 =	sld [smem:$0x3FB3]  }
0x2d: {  	s3 =	simm.s32 $0x108;
	s8 =	sld [smem:$0x3FB4]  }
0x2e: {  	s3 =	simm.s32 @!p0 $0x1082;
	s9 =	sld [smem:$0x3FB5]  }
0x2f: {  	lr =	sadd.s32 s0, s3;
	s0 =	sld [smem:$0x3FAC]  }
0x30: {  	s3 =	sld [smem:$0x3FAF]  }
0x31: {  	[smem:$0x3FB8] =	sst s10  }
0x32: {  	s10 =	sld [smem:$0x3FB6];
	_ =	sdelay $0x3  }
0x33: {  	p0 =	seq.s32 s10, $0x1;
	s10 =	sld [smem:$0x3FB8];
	_ =	sdelay $0x3  }
0x34: {  	[smem:$0x3FB8] =	sst s10  }
0x35: {  	s10 =	sld [smem:$0x3FB7];
	_ =	sdelay $0x3  }
0x36: {  	p1 =	seq.s32 s10, $0x1;
	s10 =	sld [smem:$0x3FB8];
	_ =	sdelay $0x3  }
0x37: {  	[smem:$0x3FB8] =	sst s10  }
0x38: {  	s10 =	sld [smem:$0x3FB9]  }
0x39: {  	_ = 	snop;
	(pc) =	sbr.ind lr, $3  }
0x3a: {  	_ = 	snop  }
0x3b: {  	_ = 	snop  }
0x3c: {  	p2 =	seq.s32 s10, $0x1;
	s10 =	sld [smem:$0x3FB8]  }
0x3d: {  	_ =	shalt  }
0x3e: {  	_ =	shalt  }
0x3f: {  	_ =	shalt  }
0x40: {  	_ =	shalt  }
0x41: {  	_ =	shalt  }
0x42: {  	_ =	shalt  }
0x43: {  	_ =	shalt  }
0x44: {  	_ =	shalt  }
0x45: {  	_ =	shalt  }
0x46: {  	_ =	shalt  }
0x47: {  	_ =	shalt  }
0x48: {  	_ =	shalt  }
0x49: {  	_ =	shalt  }
0x4a: {  	_ =	shalt  }
0x4b: {  	_ =	shalt  }
0x4c: {  	_ =	shalt  }
0x4d: {  	_ =	shalt  }
0x4e: {  	_ =	shalt  }
0x4f: {  	_ =	shalt  }
0x50: {  	_ =	shalt  }
0x51: {  	_ =	shalt  }
0x52: {  	_ =	shalt  }
0x53: {  	_ =	shalt  }
0x54: {  	_ =	shalt  }
0x55: {  	_ =	shalt  }
0x56: {  	_ =	shalt  }
0x57: {  	_ =	shalt  }
0x58: {  	_ =	shalt  }
0x59: {  	_ =	shalt  }
0x5a: {  	_ =	shalt  }
0x5b: {  	_ =	shalt  }
0x5c: {  	_ =	shalt  }
0x5d: {  	_ =	shalt  }
0x5e: {  	_ =	shalt  }
0x5f: {  	_ =	shalt  }
0x60: {  	_ =	shalt  }
0x61: {  	_ =	shalt  }
0x62: {  	_ =	shalt  }
0x63: {  	_ =	shalt  }
0x64: {  	_ =	shalt  }
0x65: {  	_ =	shalt  }
0x66: {  	_ =	shalt  }
0x67: {  	_ =	shalt  }
0x68: {  	_ =	shalt  }
0x69: {  	_ =	shalt  }
0x6a: {  	_ =	shalt  }
0x6b: {  	_ =	shalt  }
0x6c: {  	_ =	shalt  }
0x6d: {  	_ =	shalt  }
0x6e: {  	_ =	shalt  }
0x6f: {  	_ =	shalt  }
0x70: {  	_ =	shalt  }
0x71: {  	_ =	shalt  }
0x72: {  	_ =	shalt  }
0x73: {  	_ =	shalt  }
0x74: {  	_ =	shalt  }
0x75: {  	_ =	shalt  }
0x76: {  	_ =	shalt  }
0x77: {  	_ =	shalt  }
0x78: {  	_ =	shalt  }
0x79: {  	_ =	shalt  }
0x7a: {  	_ =	shalt  }
0x7b: {  	_ =	shalt  }
0x7c: {  	_ =	shalt  }
0x7d: {  	_ =	shalt  }
0x7e: {  	_ =	shalt  }
0x7f: {  	_ =	shalt  }
0x80: {  	_ =	shalt  }
0x81: {  	_ =	shalt  }
0x82: {  	_ =	shalt  }
0x83: {  	_ =	shalt  }
0x84: {  	_ =	shalt  }
0x85: {  	_ =	shalt  }
0x86: {  	_ =	shalt  }
0x87: {  	_ =	shalt  }
.Lfunc_end0:
.L_simem_size_0:
called_computation_lowered:
.L_overlay_start_0:
0x88: {  	s0 =	sld [smem:$0x3FD9]  }
0x89: {  	s1 =	sld [smem:$0x3FFE];
	_ =	sdelay $0x3  }
0x8a: {  	s0 =	sadd.s32 s1, s0  }
0x8b: {  	[smem:$0x3FC4] =	sst s0  }
0x8c: {  	_ = 	snop  }
0x8d: {  	s0 =	sld [smem:$0x3FC6]  }
0x8e: {  	s16 =	sld [smem:$0x3FD0];
	(tm) =	ssettm $0x1  }
0x8f: {  	s2 =	sld [smem:$0x3FFB];
	_ =	sdelay $0x3  }
0x90: {  	_ =	strace s2  }
0x91: {  	s2 =	sld [smem:$0x3FFC];
	_ =	sdelay $0x3  }
0x92: {  	_ =	strace s2  }
0x93: {  	s2 =	sld [smem:$0x3FFD];
	_ =	sdelay $0x3  }
0x94: {  	_ =	strace s2  }
0x95: {  	_ =	strace $0x8FFFFFFF  }
0x96: {  	s17 =	sld [smem:$0x3FDB];
	_ =	sdelay $0x1  }
0x97: {  	s3 =	simm.s32 $_scs_section_size  }
0x98: {  	s4 =	simm.s32 $_size__tile_overlayer_lowered;
	s5 =	simm.s32 $_tile_overlayer_lowered  }
0x99: {  	s20 =	simm.s32 $0x1BFF;
	s19 =	sshll.u32 s5, $0x1;
	s2 =	sadd.s32 s3, s17  }
0x9a: {  	s6 =	simm.s32 $0x0;
	s18 =	sshll.u32 s4, $0x1;
	s4 =	sadd.s32 s19, s2  }
0x9b: {  	[timem:s6], [sflag:s20] =	dma.local [hbm:s4], s18  }
0x9c: {  	_ =	swait.ge [sflag:s20], s18  }
0x9d: {  	s3 =	ssub.s32 $0x0, s18;
	[sflag:s20] =	ssyncset.done $0x0  }
0x9e: {  	[sflag:s20] =	ssyncadd.s32 s3;
	_ =	sdelay $0x1  }
0x9f: {  	s21 =	simm.s32 $0x1B8B  }
0xa0: {  	_ =	swait.ge [sflag:s21], $0x1  }
0xa1: {  	[sflag:s21] =	ssyncset.done $0x0  }
0xa2: {  	s23 =	simm.s32 $0x1B8E;
	s22 =	sld [smem:$0x3FFE];
	[sflag:s21] =	ssyncadd.s32 $0xFFFFFFFF  }
0xa3: {  	s24 =	simm.s32 $execute0_lowered;
	[smem:$0x3FD2] =	sst s23  }
0xa4: {  	s4 =	sshll.u32 s24, $0x1;
	_ =	strace $0x80000046;
	[dreg:$0x1] =	wrdreg $0xFFFFFFFF  }
0xa5: {  	s25 =	simm.s32 $_size_execute0_lowered;
	s2 =	sadd.s32 s2, s4;
	[dreg:$0x0] =	wrdreg $0x0  }
0xa6: {  	s4 =	sshll.u32 s25, $0x1;
	[dreg:$0x2] =	wrdreg s2  }
0xa7: {  	[dreg:$0x3] =	wrdreg s4  }
0xa8: {  	[dreg:$0x4] =	wrdreg $0xC0  }
0xa9: {  	_ =	task [dreg:s6], $0x5FFFF  }
0xaa: {  	[dreg:$0x1] =	wrdreg $0xFFFFFFFF  }
0xab: {  	[dreg:$0x0] =	wrdreg $0x60  }
0xac: {  	[dreg:$0x2] =	wrdreg s22  }
0xad: {  	[dreg:$0x3] =	wrdreg s0  }
0xae: {  	[dreg:$0x4] =	wrdreg s16  }
0xaf: {  	[dreg:$0x5] =	wrdreg $0x1BB800  }
0xb0: {  	[dreg:$0x6] =	wrdreg $0x9  }
0xb1: {  	_ =	task.clear_ibuf [dreg:s6], $0x7FFFF;
	_ =	strace $0x90000046  }
0xb2: {  	s26 =	simm.s32 $0x9;
	_ =	strace $0x80000048  }
0xb3: {  	_ =	swait.ge [sflag:s26], $0x1  }
0xb4: {  	[sflag:s26] =	ssyncadd.s32 $0xFFFFFFFF  }
0xb5: {  	_ =	strace $0x90000048  }
0xb6: {  	_ =	sfence  }
0xb7: {  	s28 =	sld [smem:$0x0];
	_ =	sdelay $0x1  }
0xb8: {  	s29 =	srdreg.scid  }
0xb9: {  	s30 =	sshll.u32 s29, $0xD;
	s31 =	sshrl.u32 s29, $0x2  }
0xba: {  	s1 =	sand.u32 $0x1, s29;
	s2 =	sand.u32 $0x4000, s30;
	s0 =	sadd.s32 s31, s28  }
0xbb: {  	s1 =	sor.u32 s2, s1;
	s0 =	sshll.u32 s0, $0x11  }
0xbc: {  	s0 =	sor.u32 s0, s1  }
0xbd: {  	s0 =	sadd.s32 $0x8F2B, s0  }
0xbe: {  	[sflag:s0] =	ssyncadd.remote.s32 $0x1  }
0xbf: {  	_ =	sfence.sel $0xFFFF  }
0xc0: {  	[dreg:$0x0] =	wrdreg $0xFFFFFFFF;
	(pc) =	sbr.abs _section_cstart, $3  }
0xc1: {  	[dreg:$0x1] =	wrdreg $0xFFFFFFFF  }
0xc2: {  	_ =	task.clear_ibuf [dreg:s6], $0x2FFFF;
	_ =	strace $0x9FFFFFFF  }
0xc3: {  	(tm) =	ssettm $0x7FFFFFFF  }
tec
execute0_lowered:
.L_overlay_start_1:
0x0: {  	(tag) =	ssettag $0x1  }
0x1: {  	s5 =	rddreg [dreg:$0x0]  }
0x2: {  	s8 =	rddreg [dreg:$0x1]  }
0x3: {  	s1 =	rddreg [dreg:$0x2];
	s2 =	stileid.u32  }
0x4: {  	s4 =	rddreg [dreg:$0x3];
	s6 =	smul.u32 $0x180, s2  }
0x5: {  	s0 =	rddreg [dreg:$0x4];
	s9 =	simm.s32 $0x0  }
0x6: {  	[smem:$0x7FF] =	sst s9;
	s3 =	sshrl.u32 s6, $0x3  }
0x7: {  	s15 =	simm.s32 $0x1;
	_ =	strace $0x80000047;
	s10 =	sadd.s32 s5, s3  }
0x8: {  	[tilespmem:s9], [sflag:$0x1] =	stream.linear.gather [hbm4b:s10+s9], $0x180, $0x38;
	[tilespmem:$0x1C0C0] =	vst v63  }
0x9: {  	_ =	swait.ge [sflag:s15], $0x180  }
0xa: {  	[sflag:s15] =	ssyncset.done $0x0  }
0xb: {  	s7 =	simm.s32 $0x180;
	[sflag:s15] =	ssyncadd.s32 $0xFFFFFE80  }
0xc: {  	[tilespmem:s7], [sflag:$0x1] =	stream.linear.gather [hbm4b:s8+s9], $0x4000, $0x38;
	[tilespmem:$0x1C0C0] =	vst v63  }
0xd: {  	_ =	swait.ge [sflag:s15], $0x4000  }
0xe: {  	[sflag:s15] =	ssyncset.done $0x0  }
0xf: {  	s17 =	simm.s32 $0x1B700;
	s16 =	sadd.s32 $0xA00, s10;
	[sflag:s15] =	ssyncadd.s32 $0xFFFFC000  }
0x10: {  	[tilespmem:s17], [sflag:$0x1] =	stream.linear.gather [hbm4b:s16+s9], $0x180, $0x38;
	[tilespmem:$0x1C0C0] =	vst v63  }
0x11: {  	_ =	swait.ge [sflag:s15], $0x180  }
0x12: {  	[sflag:s15] =	ssyncset.done $0x0  }
0x13: {  	s19 =	simm.s32 $0x1B890;
	s18 =	sadd.s32 $0x800, s5;
	[sflag:s15] =	ssyncadd.s32 $0xFFFFFE80  }
0x14: {  	[tilespmem:s19], [sflag:$0x1] =	stream.linear.gather [hbm4b:s18+s9], $0xC0, $0x38;
	[tilespmem:$0x1C0C0] =	vst v63  }
0x15: {  	_ =	swait.ge [sflag:s15], $0xC0  }
0x16: {  	[sflag:s15] =	ssyncset.done $0x0  }
0x17: {  	s21 =	simm.s32 $0x1B950;
	s20 =	sadd.s32 $0x600, s5;
	[sflag:s15] =	ssyncadd.s32 $0xFFFFFF40  }
0x18: {  	[tilespmem:s21], [sflag:$0x1] =	stream.linear.gather [hbm4b:s20+s9], $0xC0, $0x38;
	[tilespmem:$0x1C0C0] =	vst v63  }
0x19: {  	_ =	swait.ge [sflag:s15], $0xC0  }
0x1a: {  	[sflag:s15] =	ssyncset.done $0x0  }
0x1b: {  	s23 =	simm.s32 $0x1BA10;
	s22 =	sadd.s32 $0x400, s5;
	[sflag:s15] =	ssyncadd.s32 $0xFFFFFF40  }
0x1c: {  	[tilespmem:s23], [sflag:$0x1] =	stream.linear.gather [hbm4b:s22+s9], $0xB0, $0x38;
	[tilespmem:$0x1C0C0] =	vst v63  }
0x1d: {  	_ =	swait.ge [sflag:s15], $0xB0  }
0x1e: {  	[sflag:s15] =	ssyncset.done $0x0  }
0x1f: {  	[sflag:s15] =	ssyncadd.s32 $0xFFFFFF50  }
0x20: {  	v0 =	vld [tilespmem:$0x0];
	_ =	sdelay $0x5  }
0x21: {  	v1 =	vld [tilespmem:$0x10];
	_ =	sdelay $0x1  }
0x22: {  	v0 =	vld.idx.msk [tilespmem:v0+s7+$0x0], $0xffff;
	_ =	sdelay $0x3  }
0x23: {  	v2 =	vld [tilespmem:$0x20]  }
0x24: {  	[tilespmem:$0x4180] =	vst v0  }
0x25: {  	v0 =	vld.idx.msk [tilespmem:v1+s7+$0x0], $0xffff;
	_ =	sdelay $0x3  }
0x26: {  	v1 =	vld [tilespmem:$0x30]  }
0x27: {  	[tilespmem:$0x4190] =	vst v0  }
0x28: {  	v0 =	vld.idx.msk [tilespmem:v2+s7+$0x0], $0xffff;
	_ =	sdelay $0x3  }
0x29: {  	v2 =	vld [tilespmem:$0x40]  }
0x2a: {  	[tilespmem:$0x41A0] =	vst v0  }
0x2b: {  	v0 =	vld.idx.msk [tilespmem:v1+s7+$0x0], $0xffff;
	_ =	sdelay $0x3  }
0x2c: {  	v1 =	vld [tilespmem:$0x50]  }
0x2d: {  	[tilespmem:$0x41B0] =	vst v0  }
0x2e: {  	v0 =	vld.idx.msk [tilespmem:v2+s7+$0x0], $0xffff;
	_ =	sdelay $0x3  }
0x2f: {  	v2 =	vld [tilespmem:$0x60]  }
0x30: {  	[tilespmem:$0x41C0] =	vst v0  }
0x31: {  	v0 =	vld.idx.msk [tilespmem:v1+s7+$0x0], $0xffff;
	_ =	sdelay $0x3  }
0x32: {  	v1 =	vld [tilespmem:$0x70]  }
0x33: {  	[tilespmem:$0x41D0] =	vst v0  }
0x34: {  	v0 =	vld.idx.msk [tilespmem:v2+s7+$0x0], $0xffff;
	_ =	sdelay $0x3  }
0x35: {  	v2 =	vld [tilespmem:$0x80]  }
0x36: {  	[tilespmem:$0x41E0] =	vst v0  }
0x37: {  	v0 =	vld.idx.msk [tilespmem:v1+s7+$0x0], $0xffff;
	_ =	sdelay $0x3  }
0x38: {  	v1 =	vld [tilespmem:$0x90]  }
0x39: {  	[tilespmem:$0x41F0] =	vst v0  }
0x3a: {  	v0 =	vld.idx.msk [tilespmem:v2+s7+$0x0], $0xffff;
	_ =	sdelay $0x3  }
0x3b: {  	v2 =	vld [tilespmem:$0xA0]  }
0x3c: {  	[tilespmem:$0x4200] =	vst v0  }
0x3d: {  	v0 =	vld.idx.msk [tilespmem:v1+s7+$0x0], $0xffff;
	_ =	sdelay $0x3  }
0x3e: {  	v1 =	vld [tilespmem:$0xB0]  }
0x3f: {  	[tilespmem:$0x4210] =	vst v0  }
0x40: {  	v0 =	vld.idx.msk [tilespmem:v2+s7+$0x0], $0xffff;
	_ =	sdelay $0x3  }
0x41: {  	v2 =	vld [tilespmem:$0xC0]  }
0x42: {  	[tilespmem:$0x4220] =	vst v0  }
0x43: {  	v0 =	vld.idx.msk [tilespmem:v1+s7+$0x0], $0xffff;
	_ =	sdelay $0x3  }
0x44: {  	v1 =	vld [tilespmem:$0xD0]  }
0x45: {  	[tilespmem:$0x4230] =	vst v0  }
0x46: {  	v0 =	vld.idx.msk [tilespmem:v2+s7+$0x0], $0xffff;
	_ =	sdelay $0x3  }
0x47: {  	v2 =	vld [tilespmem:$0xE0]  }
0x48: {  	[tilespmem:$0x4240] =	vst v0  }
0x49: {  	v0 =	vld.idx.msk [tilespmem:v1+s7+$0x0], $0xffff;
	_ =	sdelay $0x3  }
0x4a: {  	v1 =	vld [tilespmem:$0xF0]  }
0x4b: {  	[tilespmem:$0x4250] =	vst v0  }
0x4c: {  	v0 =	vld.idx.msk [tilespmem:v2+s7+$0x0], $0xffff;
	_ =	sdelay $0x3  }
0x4d: {  	v2 =	vld [tilespmem:$0x100]  }
0x4e: {  	[tilespmem:$0x4260] =	vst v0  }
0x4f: {  	v0 =	vld.idx.msk [tilespmem:v1+s7+$0x0], $0xffff;
	_ =	sdelay $0x3  }
0x50: {  	v1 =	vld [tilespmem:$0x110]  }
0x51: {  	[tilespmem:$0x4270] =	vst v0  }
0x52: {  	v0 =	vld.idx.msk [tilespmem:v2+s7+$0x0], $0xffff;
	_ =	sdelay $0x3  }
0x53: {  	v2 =	vld [tilespmem:$0x120]  }
0x54: {  	[tilespmem:$0x4280] =	vst v0  }
0x55: {  	v0 =	vld.idx.msk [tilespmem:v1+s7+$0x0], $0xffff;
	_ =	sdelay $0x3  }
0x56: {  	v1 =	vld [tilespmem:$0x130]  }
0x57: {  	[tilespmem:$0x4290] =	vst v0  }
0x58: {  	v0 =	vld.idx.msk [tilespmem:v2+s7+$0x0], $0xffff;
	_ =	sdelay $0x3  }
0x59: {  	v2 =	vld [tilespmem:$0x140]  }
0x5a: {  	[tilespmem:$0x42A0] =	vst v0  }
0x5b: {  	v0 =	vld.idx.msk [tilespmem:v1+s7+$0x0], $0xffff;
	_ =	sdelay $0x3  }
0x5c: {  	v1 =	vld [tilespmem:$0x150]  }
0x5d: {  	[tilespmem:$0x42B0] =	vst v0  }
0x5e: {  	v0 =	vld.idx.msk [tilespmem:v2+s7+$0x0], $0xffff;
	_ =	sdelay $0x3  }
0x5f: {  	v2 =	vld [tilespmem:$0x160]  }
0x60: {  	[tilespmem:$0x42C0] =	vst v0  }
0x61: {  	v0 =	vld.idx.msk [tilespmem:v1+s7+$0x0], $0xffff;
	_ =	sdelay $0x3  }
0x62: {  	v1 =	vld [tilespmem:$0x170]  }
0x63: {  	[tilespmem:$0x42D0] =	vst v0  }
0x64: {  	v0 =	vld.idx.msk [tilespmem:v2+s7+$0x0], $0xffff;
	_ =	sdelay $0x4  }
0x65: {  	[tilespmem:$0x42E0] =	vst v0  }
0x66: {  	v0 =	vld.idx.msk [tilespmem:v1+s7+$0x0], $0xffff;
	_ =	sdelay $0x3  }
0x67: {  	s24 =	simm.s32 $0x80  }
0x68: {  	s25 =	simm.s32 $0x4180;
	s26 =	simm.s32 $0x4300;
	s5 =	sadd.s32 $0x80000, s5;
	[tilespmem:$0x42F0] =	vst v0  }
0x69: {  	[tilespmem:s26], [sflag:$0x1] =	stream.indirect.gather [hbm4b:s5+s24], $0xC0, s25, s24, $0xb8;
	[tilespmem:$0x1C0C0] =	vst v63  }
0x6a: {  	_ =	swait.ge [sflag:s15], $0x6000  }
0x6b: {  	[sflag:s15] =	ssyncset.done $0x0  }
0x6c: {  	s28 =	simm.s32 $0x4200;
	s29 =	simm.s32 $0xA300;
	[sflag:s15] =	ssyncadd.s32 $0xFFFFA000  }
0x6d: {  	[tilespmem:s29], [sflag:$0x1] =	stream.indirect.gather [hbm4b:s5+s24], $0xC0, s28, s24, $0xb8;
	[tilespmem:$0x1C0C0] =	vst v63  }
0x6e: {  	_ =	swait.ge [sflag:s15], $0x6000  }
0x6f: {  	[sflag:s15] =	ssyncset.done $0x0  }
0x70: {  	s30 =	simm.s32 $0x4280;
	s31 =	simm.s32 $0x10300;
	[sflag:s15] =	ssyncadd.s32 $0xFFFFA000  }
0x71: {  	[tilespmem:s31], [sflag:$0x1] =	stream.indirect.gather [hbm4b:s5+s24], $0xC0, s30, s24, $0xb8;
	[tilespmem:$0x1C0C0] =	vst v63  }
0x72: {  	_ =	swait.ge [sflag:s15], $0x6000  }
0x73: {  	[sflag:s15] =	ssyncset.done $0x0  }
0x74: {  	s3 =	simm.s32 $0x0;
	v0 =	vimm.f32 $0.0e+00;
	s5 =	simm.s32 $0x200;
	[sflag:s15] =	ssyncadd.s32 $0xFFFFA000  }
.LBB2_1:
0x75: {  	p0 =	sne.s32 s5, $0x14E00;
	[tilespmem:s3+$0x16370] =	vst v0  }
0x76: {  	[tilespmem:s3+$0x16300] =	vst v0  }
0x77: {  	[tilespmem:s3+$0x16310] =	vst v0  }
.Ltmp0:
0x78: {  	[tilespmem:s3+$0x16320] =	vst v0;
	(pc) =	sbr.rel @p0 .LBB2_1-.Ltmp0, $4  }
0x79: {  	[tilespmem:s3+$0x16330] =	vst v0  }
0x7a: {  	[tilespmem:s3+$0x16340] =	vst v0  }
0x7b: {  	[tilespmem:s3+$0x16350] =	vst v0  }
0x7c: {  	[tilespmem:s3+$0x16360] =	vst v0;
	s3 =	sshra.s32 s5, $0x2;
	s5 =	sadd.s32 $0x200, s5  }
0x7d: {  	[tilespmem:s3+$0x16370] =	vst v0  }
0x7e: {  	[tilespmem:s3+$0x16300] =	vst v0  }
0x7f: {  	[tilespmem:s3+$0x16310] =	vst v0  }
0x80: {  	[tilespmem:s3+$0x16320] =	vst v0  }
0x81: {  	[tilespmem:s3+$0x16330] =	vst v0  }
0x82: {  	[tilespmem:s3+$0x16340] =	vst v0;
	s7 =	smul.u32 $0x150, s2  }
0x83: {  	[tilespmem:s3+$0x16350] =	vst v0;
	p0 =	sne.s32 s2, $0x0;
	s5 =	smul.u32 $0x60, s2  }
0x84: {  	[tilespmem:s3+$0x16360] =	vst v0;
	s30 =	smul.u32 $0x300, s2;
	s3 =	simm.s32 @!p0 $0x16300  }
0x85: {  	[spmem:s4] =	stream.linear.scatter @!p0 [tilespmem:s3], [sflag:$0x1], $0x5400, $0x38;
	[tilespmem:$0x1C0C0] =	vst v63  }
0x86: {  	s9 =	simm.s32 @!p0 $0x1;
	s8 =	sadd.s32 $0x352, s7;
	s5 =	sadd.s32 s1, s5  }
0x87: {  	s10 =	sadd.s32 $0x3A6, s7;
	s2 =	sshrl.u32 s30, $0x3;
	s11 =	sadd.s32 $0x3FA, s7  }
0x88: {  	s7 =	sadd.s32 $0x44E, s7;
	_ =	swait.ge @!p0 [sflag:s9], $0x5400;
	s3 =	sadd.s32 $0x18, s5  }
0x89: {  	s31 =	sadd.s32 s1, s2;
	v0 =	vmov s7;
	s7 =	simm.s32 $0x0;
	[sflag:s9] =	ssyncset.done @!p0 $0x0  }
0x8a: {  	v3 =	vmov s8;
	s8 =	simm.s32 $0x4360;
	s2 =	sadd.s32 $0x30, s31;
	[sflag:s9] =	ssyncadd.s32 @!p0 $0xFFFFAC00  }
0x8b: {  	vm0 =	vmxor vm0, vm0;
	v2 =	vmov s10;
	v1 =	vmov s11;
	s1 =	sadd.s32 $0x48, s31;
	s9 =	simm.s32 $0x16300;
	[bflag:$0x0] =	sbarrier.arrive $0xFFFF  }
.LBB2_3:
0x8c: {  	s10 =	sshra.s32 s7, $0x2;
	v4 =	vld [tilespmem:$0x1B890]  }
0x8d: {  	v5 =	vld.msk [tilespmem:s10+$0x1B700 ss:$0x0], $0xffff;
	_ =	sdelay $0x2  }
0x8e: {  	p1 =	slt.u32 s6, $0x1729;
	vm1 =	vmmov vm0  }
0x8f: {  	vm1 =	vmneg @p1 vm1  }
0x90: {  	v6 =	vld [tilespmem:s8+$0xFFFFFFA0];
	v4 =	vadd.s32 v5, v4;
	_ =	sdelay $0x4  }
0x91: {  	[tilespmem:v4+s9+$0x0] =	vst.idx.add.f32.msk vm1, v6  }
0x92: {  	v4 =	vld [tilespmem:$0x1B8A0];
	_ =	sdelay $0x4  }
0x93: {  	v6 =	vld [tilespmem:s8+$0xFFFFFFB0];
	v4 =	vadd.s32 v5, v4;
	_ =	sdelay $0x4  }
0x94: {  	[tilespmem:v4+s9+$0x0] =	vst.idx.add.f32.msk vm1, v6  }
0x95: {  	v4 =	vld [tilespmem:$0x1B8B0];
	_ =	sdelay $0x4  }
0x96: {  	v6 =	vld [tilespmem:s8+$0xFFFFFFC0];
	v4 =	vadd.s32 v5, v4;
	_ =	sdelay $0x4  }
0x97: {  	[tilespmem:v4+s9+$0x0] =	vst.idx.add.f32.msk vm1, v6  }
0x98: {  	v4 =	vld [tilespmem:$0x1B8C0];
	_ =	sdelay $0x4  }
0x99: {  	v6 =	vld [tilespmem:s8+$0xFFFFFFD0];
	v4 =	vadd.s32 v5, v4;
	_ =	sdelay $0x4  }
0x9a: {  	[tilespmem:v4+s9+$0x0] =	vst.idx.add.f32.msk vm1, v6  }
0x9b: {  	v4 =	vld [tilespmem:$0x1B8D0];
	_ =	sdelay $0x4  }
0x9c: {  	v6 =	vld [tilespmem:s8+$0xFFFFFFE0];
	v4 =	vadd.s32 v5, v4;
	_ =	sdelay $0x4  }
0x9d: {  	[tilespmem:v4+s9+$0x0] =	vst.idx.add.f32.msk vm1, v6  }
0x9e: {  	v4 =	vld [tilespmem:$0x1B8E0];
	_ =	sdelay $0x4  }
0x9f: {  	v6 =	vld [tilespmem:s8+$0xFFFFFFF0];
	v4 =	vadd.s32 v5, v4;
	_ =	sdelay $0x4  }
0xa0: {  	[tilespmem:v4+s9+$0x0] =	vst.idx.add.f32.msk vm1, v6  }
0xa1: {  	v4 =	vld [tilespmem:$0x1B8F0];
	_ =	sdelay $0x4  }
0xa2: {  	v6 =	vld [tilespmem:s8+$0x0];
	v4 =	vadd.s32 v5, v4;
	_ =	sdelay $0x4  }
0xa3: {  	[tilespmem:v4+s9+$0x0] =	vst.idx.add.f32.msk vm1, v6  }
0xa4: {  	v4 =	vld [tilespmem:$0x1B900];
	_ =	sdelay $0x4  }
0xa5: {  	v6 =	vld [tilespmem:s8+$0x10];
	v4 =	vadd.s32 v5, v4;
	_ =	sdelay $0x4  }
0xa6: {  	[tilespmem:v4+s9+$0x0] =	vst.idx.add.f32.msk vm1, v6  }
0xa7: {  	v4 =	vld [tilespmem:$0x1B910];
	_ =	sdelay $0x4  }
0xa8: {  	v6 =	vld [tilespmem:s8+$0x20];
	v4 =	vadd.s32 v5, v4;
	_ =	sdelay $0x4  }
0xa9: {  	[tilespmem:v4+s9+$0x0] =	vst.idx.add.f32.msk vm1, v6  }
0xaa: {  	v4 =	vld [tilespmem:$0x1B920];
	_ =	sdelay $0x4  }
0xab: {  	v6 =	vld [tilespmem:s8+$0x30];
	v4 =	vadd.s32 v5, v4;
	_ =	sdelay $0x4  }
0xac: {  	[tilespmem:v4+s9+$0x0] =	vst.idx.add.f32.msk vm1, v6  }
0xad: {  	v4 =	vld [tilespmem:$0x1B930];
	_ =	sdelay $0x4  }
0xae: {  	v6 =	vld [tilespmem:s8+$0x40];
	v4 =	vadd.s32 v5, v4;
	_ =	sdelay $0x4  }
0xaf: {  	[tilespmem:v4+s9+$0x0] =	vst.idx.add.f32.msk vm1, v6  }
0xb0: {  	v4 =	vld [tilespmem:$0x1B940];
	_ =	sdelay $0x4  }
0xb1: {  	p1 =	sne.s32 s7, $0x5FC;
	v6 =	vld [tilespmem:s8+$0x50];
	v4 =	vadd.s32 v5, v4  }
.Ltmp1:
0xb2: {  	_ = 	snop;
	(pc) =	sbr.rel @p1 .LBB2_3-.Ltmp1, $2  }
0xb3: {  	_ =	sdelay $0x2  }
0xb4: {  	s6 =	sadd.s32 $0x1, s6;
	s7 =	sadd.s32 $0x4, s7;
	s8 =	sadd.s32 $0xC0, s8;
	[tilespmem:v4+s9+$0x0] =	vst.idx.add.f32.msk vm1, v6  }
0xb5: {  	s7 =	simm.s32 $0x54  }
0xb6: {  	s8 =	simm.s32 $0x1BA10;
	s6 =	simm.s32 $0x16300;
	s18 =	simm.s32 $0x1  }
0xb7: {  	[spmem:s4] =	stream.indirect.scatter.add.f32 [tilespmem:s6], [sflag:$0x1], $0x80, s8, s7, $0xb8;
	[tilespmem:$0x1C0C0] =	vst v63  }
0xb8: {  	_ =	swait.ge [sflag:s18], $0x2A00  }
0xb9: {  	s9 =	simm.s32 $0x1BA68;
	s10 =	simm.s32 $0x18D00;
	[sflag:s18] =	ssyncset.done $0x0  }
0xba: {  	s19 =	simm.s32 $0x0;
	s20 =	simm.s32 $0x0;
	[sflag:s18] =	ssyncadd.s32 $0xFFFFD600  }
0xbb: {  	[spmem:s4] =	stream.indirect.scatter.add.f32 [tilespmem:s10], [sflag:$0x1], $0x80, s9, s7, $0xb8;
	[tilespmem:$0x1C0C0] =	vst v63  }
0xbc: {  	s7 =	sand.u32 $0x3F, s19;
	s9 =	smul.u32 $0x1B90, s20  }
0xbd: {  	_ =	swait.ge [sflag:s18], $0x2A00;
	s7 =	smul.u32 $0x54, s7  }
0xbe: {  	s23 =	simm.s32 $0x1;
	s24 =	simm.s32 $0x0;
	[sflag:s18] =	ssyncset.done $0x0  }
0xbf: {  	s10 =	smul.u32 $0x1B90, s24;
	[sflag:s18] =	ssyncadd.s32 $0xFFFFD600;
	s21 =	sadd.s32 s9, s7  }
0xc0: {  	v4 =	vlaneseq.u32;
	s9 =	sand.u32 $0x3F, s23;
	[bflag:$0x0] =	sbarrier.arrive $0xFFFF;
	s7 =	sadd.s32 $0x352, s21  }
0xc1: {  	s22 =	sadd.s32 $0x362, s21;
	s25 =	sadd.s32 $0x372, s21;
	s26 =	smul.u32 $0x54, s9;
	v5 =	vadd.s32 s7, v4  }
0xc2: {  	[tilespmem:s6], [sflag:$0x1] =	stream.linear.gather [spmem:s4], $0x5400, $0x38;
	v6 =	vadd.s32 s22, v4;
	[tilespmem:$0x1C0C0] =	vst v63  }
0xc3: {  	v7 =	vadd.s32 s25, v4;
	s4 =	sadd.s32 $0x382, s21;
	_ =	swait.ge [sflag:s18], $0x5400  }
0xc4: {  	s28 =	simm.s32 $0x2;
	v8 =	vadd.s32 s4, v4;
	s7 =	sadd.s32 s10, s26;
	[sflag:s18] =	ssyncset.done $0x0  }
0xc5: {  	s29 =	simm.s32 $0x0;
	s30 =	sadd.s32 $0x352, s7;
	[sflag:s18] =	ssyncadd.s32 $0xFFFFAC00  }
0xc6: {  	s8 =	smul.u32 $0x1B90, s29;
	s4 =	sand.u32 $0x3F, s28;
	s31 =	sadd.s32 $0x362, s7;
	v11 =	vadd.s32 s30, v4;
	v5 =	vld.idx.msk [tilespmem:v5+s6+$0x0], $0xffff  }
0xc7: {  	s4 =	smul.u32 $0x54, s4;
	s10 =	sadd.s32 $0x372, s7;
	v12 =	vadd.s32 s31, v4;
	v6 =	vld.idx.msk [tilespmem:v6+s6+$0x0], $0xffff  }
0xc8: {  	s11 =	sadd.s32 $0x382, s7;
	v10 =	vadd.s32 s10, v4;
	v7 =	vld.idx.msk [tilespmem:v7+s6+$0x0], $0xffff  }
0xc9: {  	v13 =	vimm.f32 $-Inf;
	s7 =	simm.s32 $0x3;
	v9 =	vadd.s32 s11, v4;
	s4 =	sadd.s32 s8, s4;
	v8 =	vld.idx.msk [tilespmem:v8+s6+$0x0], $0xffff  }
.LBB2_5:
0xca: {  	s8 =	sshrl.u32 s7, $0x6  }
0xcb: {  	s9 =	sadd.s32 $0x352, s4;
	v13 =	vmax.f32 v13, v5;
	v5 =	vld.idx.msk [tilespmem:v11+s6+$0x0], $0xffff;
	p1 =	sne.s32 s7, $0xBF;
	s8 =	smul.u32 $0x1B90, s8  }
.Ltmp2:
0xcc: {  	s10 =	sand.u32 $0x3F, s7;
	v11 =	vadd.s32 s9, v4;
	s9 =	sadd.s32 $0x362, s4;
	v13 =	vmax.f32 v13, v6;
	v6 =	vld.idx.msk [tilespmem:v12+s6+$0x0], $0xffff;
	(pc) =	sbr.rel @p1 .LBB2_5-.Ltmp2, $4  }
0xcd: {  	s7 =	sadd.s32 $0x1, s7;
	v12 =	vadd.s32 s9, v4;
	s9 =	sadd.s32 $0x372, s4;
	v13 =	vmax.f32 v13, v7;
	v7 =	vld.idx.msk [tilespmem:v10+s6+$0x0], $0xffff  }
0xce: {  	s10 =	smul.u32 $0x54, s10;
	s4 =	sadd.s32 $0x382, s4;
	v10 =	vadd.s32 s9, v4;
	v13 =	vmax.f32 v13, v8;
	v8 =	vld.idx.msk [tilespmem:v9+s6+$0x0], $0xffff  }
0xcf: {  	v9 =	vadd.s32 s4, v4  }
0xd0: {  	s4 =	sadd.s32 s8, s10  }
0xd1: {  	_ =	sdelay $0x1  }
0xd2: {  	s7 =	sadd.s32 $0x352, s4  }
0xd3: {  	s24 =	sadd.s32 $0x362, s4;
	v14 =	vadd.s32 s7, v4  }
0xd4: {  	v11 =	vld.idx.msk [tilespmem:v11+s6+$0x0], $0xffff;
	s25 =	sadd.s32 $0x372, s4;
	v15 =	vadd.s32 s24, v4  }
0xd5: {  	v5 =	vmax.f32 v13, v5;
	v12 =	vld.idx.msk [tilespmem:v12+s6+$0x0], $0xffff;
	s26 =	sadd.s32 $0x382, s4;
	v22 =	vadd.s32 s25, v4  }
0xd6: {  	v23 =	vld.idx.msk [tilespmem:v10+s6+$0x0], $0xffff;
	v5 =	vmax.f32 v5, v6;
	v24 =	vadd.s32 s26, v4  }
0xd7: {  	v25 =	vld.idx.msk [tilespmem:v9+s6+$0x0], $0xffff;
	v5 =	vmax.f32 v5, v7  }
0xd8: {  	v5 =	vmax.f32 v5, v8;
	v26 =	vld.idx.msk [tilespmem:v14+s6+$0x0], $0xffff  }
0xd9: {  	v5 =	vmax.f32 v5, v11;
	v27 =	vld.idx.msk [tilespmem:v15+s6+$0x0], $0xffff  }
0xda: {  	v5 =	vmax.f32 v5, v12;
	v28 =	vld.idx.msk [tilespmem:v22+s6+$0x0], $0xffff  }
0xdb: {  	v4 =	vld.idx.msk [tilespmem:v24+s6+$0x0], $0xffff;
	v5 =	vmax.f32 v5, v23  }
0xdc: {  	v5 =	vmax.f32 v5, v25  }
0xdd: {  	v5 =	vmax.f32 v5, v26  }
0xde: {  	v5 =	vmax.f32 v5, v27  }
0xdf: {  	v5 =	vmax.f32 v5, v28  }
0xe0: {  	v4 =	vmax.f32 v5, v4  }
0xe1: {  	(xrf0) =	vmax.scan.msk.f32 $0xffff, v4;
	_ =	sdelay $0x3  }
0xe2: {  	v29 =	vld [tilespmem:$0x1B950];
	_ =	sdelay $0x1  }
0xe3: {  	v30, _, _ =	vpop (xrf0)  }
0xe4: {  	v5 =	vbroadcast v30, $0xF;
	_ =	sdelay $0x1  }
0xe5: {  	v4 =	vadd.s32 v3, v29;
	(erf) = vrcp.f32 v5;
	_ =	sdelay $0x2  }
0xe6: {  	v31 =	vld [tilespmem:$0x1B960]  }
0xe7: {  	s28 =	simm.s32 $0x16300  }
0xe8: {  	v32 =	vld.idx.msk [tilespmem:v4+s28+$0x0], $0xffff;
	_ =	sdelay $0x2  }
0xe9: {  	v5 =	vadd.s32 v3, v31  }
0xea: {  	v4 =	vpop (erf)  }
0xeb: {  	v6 =	vmul.f32 v32, v4  }
0xec: {  	v33 =	vld [tilespmem:$0x1B970]  }
0xed: {  	[tilespmem:$0x1BAC0] =	vst v6  }
0xee: {  	v5 =	vld.idx.msk [tilespmem:v5+s28+$0x0], $0xffff;
	_ =	sdelay $0x2  }
0xef: {  	v34 =	vadd.s32 v3, v33;
	_ =	sdelay $0x1  }
0xf0: {  	v5 =	vmul.f32 v5, v4  }
0xf1: {  	v35 =	vld [tilespmem:$0x1B980]  }
0xf2: {  	[tilespmem:$0x1BAD0] =	vst v5  }
0xf3: {  	v5 =	vld.idx.msk [tilespmem:v34+s28+$0x0], $0xffff;
	_ =	sdelay $0x2  }
0xf4: {  	v36 =	vadd.s32 v3, v35;
	_ =	sdelay $0x1  }
0xf5: {  	v5 =	vmul.f32 v5, v4  }
0xf6: {  	v37 =	vld [tilespmem:$0x1B990]  }
0xf7: {  	[tilespmem:$0x1BAE0] =	vst v5  }
0xf8: {  	v5 =	vld.idx.msk [tilespmem:v36+s28+$0x0], $0xffff;
	_ =	sdelay $0x2  }
0xf9: {  	v38 =	vadd.s32 v3, v37;
	_ =	sdelay $0x1  }
0xfa: {  	v5 =	vmul.f32 v5, v4  }
0xfb: {  	v39 =	vld [tilespmem:$0x1B9A0]  }
0xfc: {  	[tilespmem:$0x1BAF0] =	vst v5  }
0xfd: {  	v5 =	vld.idx.msk [tilespmem:v38+s28+$0x0], $0xffff;
	_ =	sdelay $0x2  }
0xfe: {  	v40 =	vadd.s32 v3, v39;
	_ =	sdelay $0x1  }
0xff: {  	v5 =	vmul.f32 v5, v4  }
0x100: {  	v41 =	vld [tilespmem:$0x1B9B0]  }
0x101: {  	[tilespmem:$0x1BB00] =	vst v5  }
0x102: {  	v5 =	vld.idx.msk [tilespmem:v40+s28+$0x0], $0xffff;
	_ =	sdelay $0x2  }
0x103: {  	v42 =	vadd.s32 v3, v41;
	_ =	sdelay $0x1  }
0x104: {  	v5 =	vmul.f32 v5, v4  }
0x105: {  	v43 =	vld [tilespmem:$0x1B9C0]  }
0x106: {  	[tilespmem:$0x1BB10] =	vst v5  }
0x107: {  	v5 =	vld.idx.msk [tilespmem:v42+s28+$0x0], $0xffff;
	_ =	sdelay $0x2  }
0x108: {  	v44 =	vadd.s32 v3, v43;
	_ =	sdelay $0x1  }
0x109: {  	v5 =	vmul.f32 v5, v4  }
0x10a: {  	v45 =	vld [tilespmem:$0x1B9D0]  }
0x10b: {  	[tilespmem:$0x1BB20] =	vst v5  }
0x10c: {  	v5 =	vld.idx.msk [tilespmem:v44+s28+$0x0], $0xffff;
	_ =	sdelay $0x2  }
0x10d: {  	v46 =	vadd.s32 v3, v45;
	_ =	sdelay $0x1  }
0x10e: {  	v5 =	vmul.f32 v5, v4  }
0x10f: {  	v47 =	vld [tilespmem:$0x1B9E0]  }
0x110: {  	[tilespmem:$0x1BB30] =	vst v5  }
0x111: {  	v5 =	vld.idx.msk [tilespmem:v46+s28+$0x0], $0xffff;
	_ =	sdelay $0x2  }
0x112: {  	v48 =	vadd.s32 v3, v47;
	_ =	sdelay $0x1  }
0x113: {  	v5 =	vmul.f32 v5, v4  }
0x114: {  	v49 =	vld [tilespmem:$0x1B9F0]  }
0x115: {  	[tilespmem:$0x1BB40] =	vst v5  }
0x116: {  	v5 =	vld.idx.msk [tilespmem:v48+s28+$0x0], $0xffff;
	_ =	sdelay $0x2  }
0x117: {  	v50 =	vadd.s32 v3, v49;
	_ =	sdelay $0x1  }
0x118: {  	v5 =	vmul.f32 v5, v4  }
0x119: {  	v51 =	vld [tilespmem:$0x1BA00]  }
0x11a: {  	[tilespmem:$0x1BB50] =	vst v5  }
0x11b: {  	v5 =	vld.idx.msk [tilespmem:v50+s28+$0x0], $0xffff;
	_ =	sdelay $0x2  }
0x11c: {  	v52 =	vadd.s32 v3, v51;
	_ =	sdelay $0x1  }
0x11d: {  	v5 =	vmul.f32 v5, v4;
	_ =	sdelay $0x1  }
0x11e: {  	[tilespmem:$0x1BB60] =	vst v5  }
0x11f: {  	v3 =	vld.idx.msk [tilespmem:v52+s28+$0x0], $0xffff;
	_ =	sdelay $0x4  }
0x120: {  	v3 =	vmul.f32 v3, v4;
	_ =	sdelay $0x1  }
0x121: {  	s29 =	simm.s32 $0x0;
	s30 =	simm.s32 $0x1BAC0;
	s31 =	simm.s32 $0x1;
	[tilespmem:$0x1BB70] =	vst v3  }
0x122: {  	[hbm4b:s5+s29] =	stream.linear.scatter [tilespmem:s30], [sflag:$0x1], $0xC0, $0x38;
	[tilespmem:$0x1C0C0] =	vst v63  }
0x123: {  	_ =	swait.ge [sflag:s31], $0xC0  }
0x124: {  	[sflag:s31] =	ssyncset.done $0x0  }
0x125: {  	[sflag:s31] =	ssyncadd.s32 $0xFFFFFF40  }
0x126: {  	v53 =	vld [tilespmem:$0x1B950];
	_ =	sdelay $0x4  }
0x127: {  	v3 =	vadd.s32 v2, v53;
	_ =	sdelay $0x2  }
0x128: {  	v54 =	vld [tilespmem:$0x1B960];
	_ =	sdelay $0x1  }
0x129: {  	v3 =	vld.idx.msk [tilespmem:v3+s28+$0x0], $0xffff;
	_ =	sdelay $0x2  }
0x12a: {  	v5 =	vadd.s32 v2, v54;
	_ =	sdelay $0x1  }
0x12b: {  	v3 =	vmul.f32 v3, v4  }
0x12c: {  	v55 =	vld [tilespmem:$0x1B970]  }
0x12d: {  	[tilespmem:$0x1BAC0] =	vst v3  }
0x12e: {  	v3 =	vld.idx.msk [tilespmem:v5+s28+$0x0], $0xffff;
	_ =	sdelay $0x2  }
0x12f: {  	v56 =	vadd.s32 v2, v55;
	_ =	sdelay $0x1  }
0x130: {  	v3 =	vmul.f32 v3, v4  }
0x131: {  	v57 =	vld [tilespmem:$0x1B980]  }
0x132: {  	[tilespmem:$0x1BAD0] =	vst v3  }
0x133: {  	v3 =	vld.idx.msk [tilespmem:v56+s28+$0x0], $0xffff;
	_ =	sdelay $0x2  }
0x134: {  	v58 =	vadd.s32 v2, v57;
	_ =	sdelay $0x1  }
0x135: {  	v3 =	vmul.f32 v3, v4  }
0x136: {  	v59 =	vld [tilespmem:$0x1B990]  }
0x137: {  	[tilespmem:$0x1BAE0] =	vst v3  }
0x138: {  	v3 =	vld.idx.msk [tilespmem:v58+s28+$0x0], $0xffff;
	_ =	sdelay $0x2  }
0x139: {  	v60 =	vadd.s32 v2, v59;
	_ =	sdelay $0x1  }
0x13a: {  	v3 =	vmul.f32 v3, v4  }
0x13b: {  	v61 =	vld [tilespmem:$0x1B9A0]  }
0x13c: {  	[tilespmem:$0x1BAF0] =	vst v3  }
0x13d: {  	v3 =	vld.idx.msk [tilespmem:v60+s28+$0x0], $0xffff;
	_ =	sdelay $0x2  }
0x13e: {  	v62 =	vadd.s32 v2, v61;
	_ =	sdelay $0x1  }
0x13f: {  	v3 =	vmul.f32 v3, v4  }
0x140: {  	v63 =	vld [tilespmem:$0x1B9B0]  }
0x141: {  	[tilespmem:$0x1BB00] =	vst v3  }
0x142: {  	v3 =	vld.idx.msk [tilespmem:v62+s28+$0x0], $0xffff;
	_ =	sdelay $0x2  }
0x143: {  	v9 =	vadd.s32 v2, v63;
	_ =	sdelay $0x1  }
0x144: {  	v3 =	vmul.f32 v3, v4  }
0x145: {  	v10 =	vld [tilespmem:$0x1B9C0]  }
0x146: {  	[tilespmem:$0x1BB10] =	vst v3  }
0x147: {  	v3 =	vld.idx.msk [tilespmem:v9+s28+$0x0], $0xffff;
	_ =	sdelay $0x2  }
0x148: {  	v11 =	vadd.s32 v2, v10;
	_ =	sdelay $0x1  }
0x149: {  	v3 =	vmul.f32 v3, v4  }
0x14a: {  	v12 =	vld [tilespmem:$0x1B9D0]  }
0x14b: {  	[tilespmem:$0x1BB20] =	vst v3  }
0x14c: {  	v3 =	vld.idx.msk [tilespmem:v11+s28+$0x0], $0xffff;
	_ =	sdelay $0x2  }
0x14d: {  	v13 =	vadd.s32 v2, v12;
	_ =	sdelay $0x1  }
0x14e: {  	v3 =	vmul.f32 v3, v4  }
0x14f: {  	v14 =	vld [tilespmem:$0x1B9E0]  }
0x150: {  	[tilespmem:$0x1BB30] =	vst v3  }
0x151: {  	v3 =	vld.idx.msk [tilespmem:v13+s28+$0x0], $0xffff;
	_ =	sdelay $0x2  }
0x152: {  	v15 =	vadd.s32 v2, v14;
	_ =	sdelay $0x1  }
0x153: {  	v3 =	vmul.f32 v3, v4  }
0x154: {  	v16 =	vld [tilespmem:$0x1B9F0]  }
0x155: {  	[tilespmem:$0x1BB40] =	vst v3  }
0x156: {  	v3 =	vld.idx.msk [tilespmem:v15+s28+$0x0], $0xffff;
	_ =	sdelay $0x2  }
0x157: {  	v17 =	vadd.s32 v2, v16;
	_ =	sdelay $0x1  }
0x158: {  	v3 =	vmul.f32 v3, v4  }
0x159: {  	v18 =	vld [tilespmem:$0x1BA00]  }
0x15a: {  	[tilespmem:$0x1BB50] =	vst v3  }
0x15b: {  	v3 =	vld.idx.msk [tilespmem:v17+s28+$0x0], $0xffff;
	_ =	sdelay $0x2  }
0x15c: {  	v19 =	vadd.s32 v2, v18;
	_ =	sdelay $0x1  }
0x15d: {  	v3 =	vmul.f32 v3, v4;
	_ =	sdelay $0x1  }
0x15e: {  	[tilespmem:$0x1BB60] =	vst v3  }
0x15f: {  	v2 =	vld.idx.msk [tilespmem:v19+s28+$0x0], $0xffff;
	_ =	sdelay $0x4  }
0x160: {  	v2 =	vmul.f32 v2, v4;
	_ =	sdelay $0x1  }
0x161: {  	[tilespmem:$0x1BB70] =	vst v2  }
0x162: {  	[hbm4b:s3+s29] =	stream.linear.scatter [tilespmem:s30], [sflag:$0x1], $0xC0, $0x38;
	[tilespmem:$0x1C0C0] =	vst v63  }
0x163: {  	_ =	swait.ge [sflag:s31], $0xC0  }
0x164: {  	[sflag:s31] =	ssyncset.done $0x0  }
0x165: {  	[sflag:s31] =	ssyncadd.s32 $0xFFFFFF40  }
0x166: {  	v20 =	vld [tilespmem:$0x1B950];
	_ =	sdelay $0x4  }
0x167: {  	v2 =	vadd.s32 v1, v20;
	_ =	sdelay $0x2  }
0x168: {  	v21 =	vld [tilespmem:$0x1B960];
	_ =	sdelay $0x1  }
0x169: {  	v2 =	vld.idx.msk [tilespmem:v2+s28+$0x0], $0xffff;
	_ =	sdelay $0x2  }
0x16a: {  	v3 =	vadd.s32 v1, v21;
	_ =	sdelay $0x1  }
0x16b: {  	v2 =	vmul.f32 v2, v4  }
0x16c: {  	v22 =	vld [tilespmem:$0x1B970]  }
0x16d: {  	[tilespmem:$0x1BAC0] =	vst v2  }
0x16e: {  	v2 =	vld.idx.msk [tilespmem:v3+s28+$0x0], $0xffff;
	_ =	sdelay $0x2  }
0x16f: {  	v23 =	vadd.s32 v1, v22;
	_ =	sdelay $0x1  }
0x170: {  	v2 =	vmul.f32 v2, v4  }
0x171: {  	v24 =	vld [tilespmem:$0x1B980]  }
0x172: {  	[tilespmem:$0x1BAD0] =	vst v2  }
0x173: {  	v2 =	vld.idx.msk [tilespmem:v23+s28+$0x0], $0xffff;
	_ =	sdelay $0x2  }
0x174: {  	v25 =	vadd.s32 v1, v24;
	_ =	sdelay $0x1  }
0x175: {  	v2 =	vmul.f32 v2, v4  }
0x176: {  	v26 =	vld [tilespmem:$0x1B990]  }
0x177: {  	[tilespmem:$0x1BAE0] =	vst v2  }
0x178: {  	v2 =	vld.idx.msk [tilespmem:v25+s28+$0x0], $0xffff;
	_ =	sdelay $0x2  }
0x179: {  	v27 =	vadd.s32 v1, v26;
	_ =	sdelay $0x1  }
0x17a: {  	v2 =	vmul.f32 v2, v4  }
0x17b: {  	v28 =	vld [tilespmem:$0x1B9A0]  }
0x17c: {  	[tilespmem:$0x1BAF0] =	vst v2  }
0x17d: {  	v2 =	vld.idx.msk [tilespmem:v27+s28+$0x0], $0xffff;
	_ =	sdelay $0x2  }
0x17e: {  	v29 =	vadd.s32 v1, v28;
	_ =	sdelay $0x1  }
0x17f: {  	v2 =	vmul.f32 v2, v4  }
0x180: {  	v30 =	vld [tilespmem:$0x1B9B0]  }
0x181: {  	[tilespmem:$0x1BB00] =	vst v2  }
0x182: {  	v2 =	vld.idx.msk [tilespmem:v29+s28+$0x0], $0xffff;
	_ =	sdelay $0x2  }
0x183: {  	v31 =	vadd.s32 v1, v30;
	_ =	sdelay $0x1  }
0x184: {  	v2 =	vmul.f32 v2, v4  }
0x185: {  	v32 =	vld [tilespmem:$0x1B9C0]  }
0x186: {  	[tilespmem:$0x1BB10] =	vst v2  }
0x187: {  	v2 =	vld.idx.msk [tilespmem:v31+s28+$0x0], $0xffff;
	_ =	sdelay $0x2  }
0x188: {  	v33 =	vadd.s32 v1, v32;
	_ =	sdelay $0x1  }
0x189: {  	v2 =	vmul.f32 v2, v4  }
0x18a: {  	v34 =	vld [tilespmem:$0x1B9D0]  }
0x18b: {  	[tilespmem:$0x1BB20] =	vst v2  }
0x18c: {  	v2 =	vld.idx.msk [tilespmem:v33+s28+$0x0], $0xffff;
	_ =	sdelay $0x2  }
0x18d: {  	v35 =	vadd.s32 v1, v34;
	_ =	sdelay $0x1  }
0x18e: {  	v2 =	vmul.f32 v2, v4  }
0x18f: {  	v36 =	vld [tilespmem:$0x1B9E0]  }
0x190: {  	[tilespmem:$0x1BB30] =	vst v2  }
0x191: {  	v2 =	vld.idx.msk [tilespmem:v35+s28+$0x0], $0xffff;
	_ =	sdelay $0x2  }
0x192: {  	v37 =	vadd.s32 v1, v36;
	_ =	sdelay $0x1  }
0x193: {  	v2 =	vmul.f32 v2, v4  }
0x194: {  	v38 =	vld [tilespmem:$0x1B9F0]  }
0x195: {  	[tilespmem:$0x1BB40] =	vst v2  }
0x196: {  	v2 =	vld.idx.msk [tilespmem:v37+s28+$0x0], $0xffff;
	_ =	sdelay $0x2  }
0x197: {  	v39 =	vadd.s32 v1, v38;
	_ =	sdelay $0x1  }
0x198: {  	v2 =	vmul.f32 v2, v4  }
0x199: {  	v40 =	vld [tilespmem:$0x1BA00]  }
0x19a: {  	[tilespmem:$0x1BB50] =	vst v2  }
0x19b: {  	v2 =	vld.idx.msk [tilespmem:v39+s28+$0x0], $0xffff;
	_ =	sdelay $0x2  }
0x19c: {  	v41 =	vadd.s32 v1, v40;
	_ =	sdelay $0x1  }
0x19d: {  	v2 =	vmul.f32 v2, v4;
	_ =	sdelay $0x1  }
0x19e: {  	[tilespmem:$0x1BB60] =	vst v2  }
0x19f: {  	v1 =	vld.idx.msk [tilespmem:v41+s28+$0x0], $0xffff;
	_ =	sdelay $0x4  }
0x1a0: {  	v1 =	vmul.f32 v1, v4;
	_ =	sdelay $0x1  }
0x1a1: {  	[tilespmem:$0x1BB70] =	vst v1  }
0x1a2: {  	[hbm4b:s2+s29] =	stream.linear.scatter [tilespmem:s30], [sflag:$0x1], $0xC0, $0x38;
	[tilespmem:$0x1C0C0] =	vst v63  }
0x1a3: {  	_ =	swait.ge [sflag:s31], $0xC0  }
0x1a4: {  	[sflag:s31] =	ssyncset.done $0x0  }
0x1a5: {  	[sflag:s31] =	ssyncadd.s32 $0xFFFFFF40  }
0x1a6: {  	v42 =	vld [tilespmem:$0x1B950];
	_ =	sdelay $0x4  }
0x1a7: {  	v1 =	vadd.s32 v0, v42;
	_ =	sdelay $0x2  }
0x1a8: {  	v43 =	vld [tilespmem:$0x1B960];
	_ =	sdelay $0x1  }
0x1a9: {  	v1 =	vld.idx.msk [tilespmem:v1+s28+$0x0], $0xffff;
	_ =	sdelay $0x2  }
0x1aa: {  	v2 =	vadd.s32 v0, v43;
	_ =	sdelay $0x1  }
0x1ab: {  	v1 =	vmul.f32 v1, v4  }
0x1ac: {  	v44 =	vld [tilespmem:$0x1B970]  }
0x1ad: {  	[tilespmem:$0x1BAC0] =	vst v1  }
0x1ae: {  	v1 =	vld.idx.msk [tilespmem:v2+s28+$0x0], $0xffff;
	_ =	sdelay $0x2  }
0x1af: {  	v45 =	vadd.s32 v0, v44;
	_ =	sdelay $0x1  }
0x1b0: {  	v1 =	vmul.f32 v1, v4  }
0x1b1: {  	v46 =	vld [tilespmem:$0x1B980]  }
0x1b2: {  	[tilespmem:$0x1BAD0] =	vst v1  }
0x1b3: {  	v1 =	vld.idx.msk [tilespmem:v45+s28+$0x0], $0xffff;
	_ =	sdelay $0x2  }
0x1b4: {  	v47 =	vadd.s32 v0, v46;
	_ =	sdelay $0x1  }
0x1b5: {  	v1 =	vmul.f32 v1, v4  }
0x1b6: {  	v48 =	vld [tilespmem:$0x1B990]  }
0x1b7: {  	[tilespmem:$0x1BAE0] =	vst v1  }
0x1b8: {  	v1 =	vld.idx.msk [tilespmem:v47+s28+$0x0], $0xffff;
	_ =	sdelay $0x2  }
0x1b9: {  	v49 =	vadd.s32 v0, v48;
	_ =	sdelay $0x1  }
0x1ba: {  	v1 =	vmul.f32 v1, v4  }
0x1bb: {  	v50 =	vld [tilespmem:$0x1B9A0]  }
0x1bc: {  	[tilespmem:$0x1BAF0] =	vst v1  }
0x1bd: {  	v1 =	vld.idx.msk [tilespmem:v49+s28+$0x0], $0xffff;
	_ =	sdelay $0x2  }
0x1be: {  	v51 =	vadd.s32 v0, v50;
	_ =	sdelay $0x1  }
0x1bf: {  	v1 =	vmul.f32 v1, v4  }
0x1c0: {  	v52 =	vld [tilespmem:$0x1B9B0]  }
0x1c1: {  	[tilespmem:$0x1BB00] =	vst v1  }
0x1c2: {  	v1 =	vld.idx.msk [tilespmem:v51+s28+$0x0], $0xffff;
	_ =	sdelay $0x2  }
0x1c3: {  	v53 =	vadd.s32 v0, v52;
	_ =	sdelay $0x1  }
0x1c4: {  	v1 =	vmul.f32 v1, v4  }
0x1c5: {  	v54 =	vld [tilespmem:$0x1B9C0]  }
0x1c6: {  	[tilespmem:$0x1BB10] =	vst v1  }
0x1c7: {  	v1 =	vld.idx.msk [tilespmem:v53+s28+$0x0], $0xffff;
	_ =	sdelay $0x2  }
0x1c8: {  	v55 =	vadd.s32 v0, v54;
	_ =	sdelay $0x1  }
0x1c9: {  	v1 =	vmul.f32 v1, v4  }
0x1ca: {  	v56 =	vld [tilespmem:$0x1B9D0]  }
0x1cb: {  	[tilespmem:$0x1BB20] =	vst v1  }
0x1cc: {  	v1 =	vld.idx.msk [tilespmem:v55+s28+$0x0], $0xffff;
	_ =	sdelay $0x2  }
0x1cd: {  	v57 =	vadd.s32 v0, v56;
	_ =	sdelay $0x1  }
0x1ce: {  	v1 =	vmul.f32 v1, v4  }
0x1cf: {  	v58 =	vld [tilespmem:$0x1B9E0]  }
0x1d0: {  	[tilespmem:$0x1BB30] =	vst v1  }
0x1d1: {  	v1 =	vld.idx.msk [tilespmem:v57+s28+$0x0], $0xffff;
	_ =	sdelay $0x2  }
0x1d2: {  	v59 =	vadd.s32 v0, v58;
	_ =	sdelay $0x1  }
0x1d3: {  	v1 =	vmul.f32 v1, v4  }
0x1d4: {  	v60 =	vld [tilespmem:$0x1B9F0]  }
0x1d5: {  	[tilespmem:$0x1BB40] =	vst v1  }
0x1d6: {  	v1 =	vld.idx.msk [tilespmem:v59+s28+$0x0], $0xffff;
	_ =	sdelay $0x2  }
0x1d7: {  	v61 =	vadd.s32 v0, v60;
	_ =	sdelay $0x1  }
0x1d8: {  	v1 =	vmul.f32 v1, v4  }
0x1d9: {  	v62 =	vld [tilespmem:$0x1BA00]  }
0x1da: {  	[tilespmem:$0x1BB50] =	vst v1  }
0x1db: {  	v1 =	vld.idx.msk [tilespmem:v61+s28+$0x0], $0xffff;
	_ =	sdelay $0x2  }
0x1dc: {  	v63 =	vadd.s32 v0, v62;
	_ =	sdelay $0x1  }
0x1dd: {  	v1 =	vmul.f32 v1, v4;
	_ =	sdelay $0x1  }
0x1de: {  	[tilespmem:$0x1BB60] =	vst v1  }
0x1df: {  	v0 =	vld.idx.msk [tilespmem:v63+s28+$0x0], $0xffff;
	_ =	sdelay $0x4  }
0x1e0: {  	v0 =	vmul.f32 v0, v4;
	_ =	sdelay $0x1  }
0x1e1: {  	[tilespmem:$0x1BB70] =	vst v0  }
0x1e2: {  	[hbm4b:s1+s29] =	stream.linear.scatter [tilespmem:s30], [sflag:$0x1], $0xC0, $0x38;
	[tilespmem:$0x1C0C0] =	vst v63  }
0x1e3: {  	_ =	swait.ge [sflag:s31], $0xC0  }
0x1e4: {  	[sflag:s31] =	ssyncset.done $0x0  }
0x1e5: {  	[sflag:s31] =	ssyncadd.s32 $0xFFFFFF40  }
0x1e6: {  	_ =	sfence.sel $0x180000  }
0x1e7: {  	[bflag:$0x0] =	sbarrier.arrive $0xFFFF  }
0x1e8: {  	_ =	strace $0x90000047  }
0x1e9: {  	s0 =	sadd.s32 @!p0 $0x100000, s0;
	[bflag:$0x2] =	sbarrier.arrive $0xFFFF  }
0x1ea: {  	[sflag:s0] =	ssyncadd.tile.s32 @!p0 $0x1;
	_ =	shalt  }
.Lfunc_end2:
_tile_overlayer_lowered:
.L_overlay_start_2:
0x1eb: {  	(tag) =	ssettag $0x2  }
0x1ec: {  	s0 =	rddreg [dreg:$0x0];
	s2 =	stileid.u32  }
0x1ed: {  	s1 =	rddreg [dreg:$0x1];
	p0 =	sne.s32 s2, $0x0  }
0x1ee: {  	s3 =	rddreg [dreg:$0x2];
	[bflag:$0x3] =	sbarrier.arrive $0xFFFF;
	s2 =	simm.s32 @!p0 $0x1C01  }
0x1ef: {  	[timem:s3], [sflag:s2] =	dma.local @!p0 [hbm:s0], s1  }
0x1f0: {  	s0 =	simm.s32 @!p0 $0x1  }
0x1f1: {  	_ =	swait.ge @!p0 [sflag:s0], s1  }
0x1f2: {  	s1 =	ssub.s32 @!p0 $0x0, s1;
	[sflag:s0] =	ssyncset.done @!p0 $0x0  }
0x1f3: {  	[sflag:s0] =	ssyncadd.s32 @!p0 s1  }
0x1f4: {  	[bflag:$0x3] =	sbarrier.arrive $0xFFFF  }
0x1f5: {  	_ =	shalt  }

</sc_bundles>
